<compile_context>
chip_gen: v7x
topology: tpu7x:2x2x1
jax: 0.10.2.dev20260603
libtpu: 0.0.44.dev20260713+nightly
codegen_flags: <defaults>
</compile_context>

<pallas_src>
import functools

import jax
import jax.numpy as jnp
from jax import lax
from jax.experimental import pallas as pl
from jax.experimental.pallas import tpu as pltpu
from jax.experimental.pallas import tpu_sc as plsc

_TEMPERATURE = 0.8
_TOP_K = 50
_TOP_P = 0.9
_REP_PENALTY = 1.1

_B = 128
_V = 32000
_T = 200
_TPAD = 256
_ROWS_PER_PROG = 64


def _sc_penalize(logits, prev_tokens):
    info = plsc.get_sparse_core_info()
    nc, ns = info.num_cores, info.num_subcores
    nw = nc * ns
    rows_per_w = _B // nw

    @functools.partial(
        pl.kernel,
        mesh=plsc.VectorSubcoreMesh(core_axis_name="c", subcore_axis_name="s"),
        out_type=jax.ShapeDtypeStruct((_B, _V), jnp.float32),
        scratch_types=[
            pltpu.VMEM((_V,), jnp.float32),
            pltpu.VMEM((_V,), jnp.float32),
            pltpu.VMEM((_TPAD,), jnp.int32),
            pltpu.VMEM((_TPAD,), jnp.int32),
            pltpu.SemaphoreType.DMA,
            pltpu.SemaphoreType.DMA,
            pltpu.SemaphoreType.DMA,
            pltpu.SemaphoreType.DMA,
            pltpu.SemaphoreType.DMA,
            pltpu.SemaphoreType.DMA,
        ],
        compiler_params=pltpu.CompilerParams(needs_layout_passes=False),
    )
    def body(logits_hbm, prev_hbm, out_hbm,
             row0_v, row1_v, tok0_v, tok1_v, si0, si1, st0, st1, so0, so1):
        wid = lax.axis_index("s") * nc + lax.axis_index("c")
        rowb = [row0_v, row1_v]
        tokb = [tok0_v, tok1_v]
        sin = [si0, si1]
        stk = [st0, st1]
        sout = [so0, so1]
        base = wid * rows_per_w

        in_h = {0: (pltpu.async_copy(logits_hbm.at[base], rowb[0], sin[0]),
                    pltpu.async_copy(prev_hbm.at[base], tokb[0], stk[0]))}
        out_h = {}
        for rr in range(rows_per_w):
            cur = rr % 2
            row = base + rr
            hin, htk = in_h.pop(rr)
            hin.wait()
            htk.wait()
            if rr + 1 < rows_per_w:
                if rr - 1 >= 0:
                    out_h.pop(rr - 1).wait()
                in_h[rr + 1] = (
                    pltpu.async_copy(logits_hbm.at[row + 1],
                                     rowb[1 - cur], sin[1 - cur]),
                    pltpu.async_copy(prev_hbm.at[row + 1],
                                     tokb[1 - cur], stk[1 - cur]))
            toks = []
            pens = []
            for i in range(_TPAD // 16):
                t16 = tokb[cur][pl.ds(i * 16, 16)]
                vals = plsc.load_gather(rowb[cur], [t16])
                pen = jnp.where(vals > 0.0,
                                vals / jnp.float32(_REP_PENALTY),
                                vals * jnp.float32(_REP_PENALTY))
                toks.append(t16)
                pens.append(pen)
            for t16, pen in zip(toks, pens):
                plsc.store_scatter(rowb[cur], [t16], pen)
            out_h[rr] = pltpu.async_copy(rowb[cur], out_hbm.at[row], sout[cur])
        for rr in sorted(out_h):
            out_h.pop(rr).wait()

    return body(logits, prev_tokens)


def _tc_body(x_ref, probs_ref, tok_ref):
    x = x_ref[...] / jnp.float32(_TEMPERATURE)
    bits = lax.bitcast_convert_type(x, jnp.int32)
    keys = jnp.where(bits >= 0, bits, bits ^ jnp.int32(0x7FFFFFFF))
    rowmax = jnp.max(x, axis=-1, keepdims=True)
    rowmin = jnp.min(x, axis=-1, keepdims=True)

    def to_key(v):
        b = lax.bitcast_convert_type(v, jnp.int32)
        return jnp.where(b >= 0, b, b ^ jnp.int32(0x7FFFFFFF))

    kmin = to_key(rowmin)
    kmax = to_key(rowmax)

    def mid_of(lo, hi):
        return (lo >> 1) + (hi >> 1) + (lo & hi & 1)

    def not_converged(carry):
        lo, hi = carry
        return jnp.any(hi - 1 > lo)

    def step1(carry):
        lo, hi = carry
        mid = mid_of(lo, hi)
        cnt = jnp.sum((keys >= mid).astype(jnp.int32), axis=-1, keepdims=True)
        ge = cnt >= _TOP_K
        return jnp.where(ge, mid, lo), jnp.where(ge, hi, mid)

    def body1(carry):
        return step1(step1(carry))

    lo_g = kmax - jnp.int32(1 << 24)
    c_g = jnp.sum((keys >= lo_g).astype(jnp.int32), axis=-1, keepdims=True)
    ok_g = c_g >= _TOP_K
    lo0 = jnp.where(ok_g, lo_g, kmin)
    hi0 = jnp.where(ok_g, kmax + 1, lo_g)

    kth, _ = lax.while_loop(not_converged, body1, (lo0, hi0))

    topk = keys >= kth
    p = jnp.where(topk, jnp.exp(x - rowmax), jnp.float32(0.0))
    s = jnp.sum(p, axis=-1, keepdims=True)
    thresh = jnp.float32(_TOP_P) * s

    def step2(carry):
        lo, hi = carry
        mid = mid_of(lo, hi)
        h = jnp.sum(jnp.where(keys >= mid, p, jnp.float32(0.0)),
                    axis=-1, keepdims=True)
        gt = h > thresh
        return jnp.where(gt, mid, lo), jnp.where(gt, hi, mid)

    def body2(carry):
        return step2(step2(carry))

    _, k0 = lax.while_loop(not_converged, body2, (kth, kmax + 1))

    keep = keys >= (k0 - 1)
    q = jnp.where(keep, p, jnp.float32(0.0))
    z = jnp.sum(q, axis=-1, keepdims=True)
    probs = q / z
    probs_ref[...] = probs

    pmax = jnp.max(probs, axis=-1, keepdims=True)
    ids = lax.broadcasted_iota(jnp.int32, probs.shape, 1)
    cand = jnp.where(probs == pmax, ids, jnp.int32(_V))
    tok_ref[...] = jnp.min(cand, axis=-1, keepdims=True)


def _tc_main(pen):
    return pl.pallas_call(
        _tc_body,
        grid=(_B // _ROWS_PER_PROG,),
        in_specs=[pl.BlockSpec((_ROWS_PER_PROG, _V), lambda i: (i, 0))],
        out_specs=[
            pl.BlockSpec((_ROWS_PER_PROG, _V), lambda i: (i, 0)),
            pl.BlockSpec((_ROWS_PER_PROG, 1), lambda i: (i, 0)),
        ],
        out_shape=[
            jax.ShapeDtypeStruct((_B, _V), jnp.float32),
            jax.ShapeDtypeStruct((_B, 1), jnp.int32),
        ],
    )(pen)


def kernel(logits, prev_tokens):
    prev = prev_tokens.astype(jnp.int32)
    pad = jnp.broadcast_to(prev[:, :1], (_B, _TPAD - _T))
    prev_padded = jnp.concatenate([prev, pad], axis=1)
    pen = _sc_penalize(logits, prev_padded)
    probs, tok = _tc_main(pen)
    return probs, tok.reshape(_B)

# --- scband reference (transcript-rebuilt; emitter-appended) ---
"""Pipeline reference for scband-generative-decoder-45775761441322 (READ-ONLY COPY).

The authoritative reference and input builder live on the scoring server;
editing this copy changes nothing except your own understanding.
"""

import jax, jax.numpy as jnp
import numpy as np

TEMPERATURE = 0.8
TOP_K = 50
TOP_P = 0.9
REP_PENALTY = 1.1
NEG = -1e9


def setup_inputs(seed: int = 0) -> dict:
    key = jax.random.key(seed)
    k1, k2 = jax.random.split(key)
    logits = jax.random.normal(k1, (128, 32000), dtype=jnp.float32) * 3.0
    prev_tokens = jax.random.randint(k2, (128, 200), 0, 32000)
    return {"logits": logits, "prev_tokens": prev_tokens}


def reference(logits, prev_tokens):
    # Faithful jax translation of GenerativeDecoder's sampling pipeline:
    # repetition penalty -> temperature -> top_k -> top_p (nucleus) -> softmax -> select token
    B, V = logits.shape
    # repetition penalty (HF-style): divide positive logits, multiply negative logits
    gathered = jnp.take_along_axis(logits, prev_tokens, axis=1)
    penalized = jnp.where(gathered > 0, gathered / REP_PENALTY, gathered * REP_PENALTY)
    rows = jnp.arange(B)[:, None]
    logits = logits.at[rows, prev_tokens].set(penalized)
    # temperature
    logits = logits / TEMPERATURE
    # top-k filtering
    topk_vals, _ = jax.lax.top_k(logits, TOP_K)
    kth = topk_vals[:, -1:]
    logits = jnp.where(logits < kth, NEG, logits)
    # top-p (nucleus) filtering via full sort over vocab
    sorted_idx = jnp.argsort(-logits, axis=-1)
    sorted_logits = jnp.take_along_axis(logits, sorted_idx, axis=1)
    sorted_probs = jax.nn.softmax(sorted_logits, axis=-1)
    cum = jnp.cumsum(sorted_probs, axis=-1)
    remove = (cum - sorted_probs) > TOP_P  # always keep the first (highest-prob) token
    sorted_logits = jnp.where(remove, NEG, sorted_logits)
    inv = jnp.argsort(sorted_idx, axis=-1)
    logits = jnp.take_along_axis(sorted_logits, inv, axis=1)
    probs = jax.nn.softmax(logits, axis=-1)
    tokens = jnp.argmax(probs, axis=-1)
    return probs, tokens

if __name__ == "__main__":
    import jax
    _d = setup_inputs()
    print(jax.jit(kernel)(*tuple(_d.values())))

</pallas_src>

<mosaic_0001>
#map = affine_map<(d0, d1) -> (0, 0)>
module attributes {stable_mosaic.version = 14 : i64} {
  func.func @body(%arg0: i32, %arg1: i32, %arg2: memref<128x32000xf32, #tpu.memory_space<hbm>>, %arg3: memref<128x256xi32, #tpu.memory_space<hbm>>, %arg4: memref<128x32000xf32, #tpu.memory_space<hbm>>, %arg5: memref<32000xf32, #tpu.memory_space<vmem>>, %arg6: memref<32000xf32, #tpu.memory_space<vmem>>, %arg7: memref<256xi32, #tpu.memory_space<vmem>>, %arg8: memref<256xi32, #tpu.memory_space<vmem>>, %arg9: memref<!tpu.dma_semaphore, #tpu.memory_space<semaphore_mem>>, %arg10: memref<!tpu.dma_semaphore, #tpu.memory_space<semaphore_mem>>, %arg11: memref<!tpu.dma_semaphore, #tpu.memory_space<semaphore_mem>>, %arg12: memref<!tpu.dma_semaphore, #tpu.memory_space<semaphore_mem>>, %arg13: memref<!tpu.dma_semaphore, #tpu.memory_space<semaphore_mem>>, %arg14: memref<!tpu.dma_semaphore, #tpu.memory_space<semaphore_mem>>) attributes {dimension_semantics = [#tpu.dimension_semantics<core_parallel>, #tpu.dimension_semantics<subcore_parallel>], iteration_bounds = array<i64: 2, 16>, scalar_prefetch = 0 : i64, scratch_operands = 10 : i64, tpu.core_type = #tpu.core_type<sc_vector_subcore>, window_params = [{transform_indices = #map}, {transform_indices = #map}, {transform_indices = #map}]} {
    %mul3A = arith.constant 2 : i32
    %mul3A_0 = arith.muli %arg1, %mul3A : i32
    %add3A = arith.addi %mul3A_0, %arg0 : i32
    %mul3A_1 = arith.constant 4 : i32
    %mul3A_2 = arith.muli %add3A, %mul3A_1 : i32
    %dma_start3A = arith.constant 0 : i32
    %dma_start3A_3 = tpu.memref_slice %arg2[%mul3A_2, %dma_start3A] : memref<128x32000xf32, #tpu.memory_space<hbm>> -> memref<1x32000xf32, #tpu.memory_space<hbm>>
    %dma_start3A_4 = tpu.memref_squeeze %dma_start3A_3 : memref<1x32000xf32, #tpu.memory_space<hbm>> -> memref<32000xf32, #tpu.memory_space<hbm>>
    %dma_start3A_5 = arith.constant 0 : i32
    %dma_start3A_6 = tpu.memref_slice %arg2[%mul3A_2, %dma_start3A_5] : memref<128x32000xf32, #tpu.memory_space<hbm>> -> memref<1x32000xf32, #tpu.memory_space<hbm>>
    %dma_start3A_7 = tpu.memref_squeeze %dma_start3A_6 : memref<1x32000xf32, #tpu.memory_space<hbm>> -> memref<32000xf32, #tpu.memory_space<hbm>>
    tpu.enqueue_dma source(%dma_start3A_7 : memref<32000xf32, #tpu.memory_space<hbm>>) target(%arg5 : memref<32000xf32, #tpu.memory_space<vmem>>) target_semaphore(%arg9 : memref<!tpu.dma_semaphore, #tpu.memory_space<semaphore_mem>>)
    %dma_start3A_8 = arith.constant 0 : i32
    %dma_start3A_9 = tpu.memref_slice %arg3[%mul3A_2, %dma_start3A_8] : memref<128x256xi32, #tpu.memory_space<hbm>> -> memref<1x256xi32, #tpu.memory_space<hbm>>
    %dma_start3A_10 = tpu.memref_squeeze %dma_start3A_9 : memref<1x256xi32, #tpu.memory_space<hbm>> -> memref<256xi32, #tpu.memory_space<hbm>>
    %dma_start3A_11 = arith.constant 0 : i32
    %dma_start3A_12 = tpu.memref_slice %arg3[%mul3A_2, %dma_start3A_11] : memref<128x256xi32, #tpu.memory_space<hbm>> -> memref<1x256xi32, #tpu.memory_space<hbm>>
    %dma_start3A_13 = tpu.memref_squeeze %dma_start3A_12 : memref<1x256xi32, #tpu.memory_space<hbm>> -> memref<256xi32, #tpu.memory_space<hbm>>
    tpu.enqueue_dma source(%dma_start3A_13 : memref<256xi32, #tpu.memory_space<hbm>>) target(%arg7 : memref<256xi32, #tpu.memory_space<vmem>>) target_semaphore(%arg11 : memref<!tpu.dma_semaphore, #tpu.memory_space<semaphore_mem>>)
    %add3A_14 = arith.constant 0 : i32
    %add3A_15 = arith.addi %mul3A_2, %add3A_14 : i32
    %dma_wait3A = arith.constant 0 : i32
    %dma_wait3A_16 = tpu.memref_slice %arg2[%mul3A_2, %dma_wait3A] : memref<128x32000xf32, #tpu.memory_space<hbm>> -> memref<1x32000xf32, #tpu.memory_space<hbm>>
    %dma_wait3A_17 = tpu.memref_squeeze %dma_wait3A_16 : memref<1x32000xf32, #tpu.memory_space<hbm>> -> memref<32000xf32, #tpu.memory_space<hbm>>
    %dma_wait3A_18 = arith.constant 0 : i32
    %dma_wait3A_19 = tpu.memref_slice %arg2[%mul3A_2, %dma_wait3A_18] : memref<128x32000xf32, #tpu.memory_space<hbm>> -> memref<1x32000xf32, #tpu.memory_space<hbm>>
    %dma_wait3A_20 = tpu.memref_squeeze %dma_wait3A_19 : memref<1x32000xf32, #tpu.memory_space<hbm>> -> memref<32000xf32, #tpu.memory_space<hbm>>
    tpu.wait_dma2 semaphore(%arg9 : memref<!tpu.dma_semaphore, #tpu.memory_space<semaphore_mem>>) src(%dma_wait3A_20 : memref<32000xf32, #tpu.memory_space<hbm>>) dst(%arg5 : memref<32000xf32, #tpu.memory_space<vmem>>)
    %dma_wait3A_21 = arith.constant 0 : i32
    %dma_wait3A_22 = tpu.memref_slice %arg3[%mul3A_2, %dma_wait3A_21] : memref<128x256xi32, #tpu.memory_space<hbm>> -> memref<1x256xi32, #tpu.memory_space<hbm>>
    %dma_wait3A_23 = tpu.memref_squeeze %dma_wait3A_22 : memref<1x256xi32, #tpu.memory_space<hbm>> -> memref<256xi32, #tpu.memory_space<hbm>>
    %dma_wait3A_24 = arith.constant 0 : i32
    %dma_wait3A_25 = tpu.memref_slice %arg3[%mul3A_2, %dma_wait3A_24] : memref<128x256xi32, #tpu.memory_space<hbm>> -> memref<1x256xi32, #tpu.memory_space<hbm>>
    %dma_wait3A_26 = tpu.memref_squeeze %dma_wait3A_25 : memref<1x256xi32, #tpu.memory_space<hbm>> -> memref<256xi32, #tpu.memory_space<hbm>>
    tpu.wait_dma2 semaphore(%arg11 : memref<!tpu.dma_semaphore, #tpu.memory_space<semaphore_mem>>) src(%dma_wait3A_26 : memref<256xi32, #tpu.memory_space<hbm>>) dst(%arg7 : memref<256xi32, #tpu.memory_space<vmem>>)
    %add3A_27 = arith.constant 1 : i32
    %add3A_28 = arith.addi %add3A_15, %add3A_27 : i32
    %dma_start3A_29 = arith.constant 0 : i32
    %dma_start3A_30 = tpu.memref_slice %arg2[%add3A_28, %dma_start3A_29] : memref<128x32000xf32, #tpu.memory_space<hbm>> -> memref<1x32000xf32, #tpu.memory_space<hbm>>
    %dma_start3A_31 = tpu.memref_squeeze %dma_start3A_30 : memref<1x32000xf32, #tpu.memory_space<hbm>> -> memref<32000xf32, #tpu.memory_space<hbm>>
    %dma_start3A_32 = arith.constant 0 : i32
    %dma_start3A_33 = tpu.memref_slice %arg2[%add3A_28, %dma_start3A_32] : memref<128x32000xf32, #tpu.memory_space<hbm>> -> memref<1x32000xf32, #tpu.memory_space<hbm>>
    %dma_start3A_34 = tpu.memref_squeeze %dma_start3A_33 : memref<1x32000xf32, #tpu.memory_space<hbm>> -> memref<32000xf32, #tpu.memory_space<hbm>>
    tpu.enqueue_dma source(%dma_start3A_34 : memref<32000xf32, #tpu.memory_space<hbm>>) target(%arg6 : memref<32000xf32, #tpu.memory_space<vmem>>) target_semaphore(%arg10 : memref<!tpu.dma_semaphore, #tpu.memory_space<semaphore_mem>>)
    %add3A_35 = arith.constant 1 : i32
    %add3A_36 = arith.addi %add3A_15, %add3A_35 : i32
    %dma_start3A_37 = arith.constant 0 : i32
    %dma_start3A_38 = tpu.memref_slice %arg3[%add3A_36, %dma_start3A_37] : memref<128x256xi32, #tpu.memory_space<hbm>> -> memref<1x256xi32, #tpu.memory_space<hbm>>
    %dma_start3A_39 = tpu.memref_squeeze %dma_start3A_38 : memref<1x256xi32, #tpu.memory_space<hbm>> -> memref<256xi32, #tpu.memory_space<hbm>>
    %dma_start3A_40 = arith.constant 0 : i32
    %dma_start3A_41 = tpu.memref_slice %arg3[%add3A_36, %dma_start3A_40] : memref<128x256xi32, #tpu.memory_space<hbm>> -> memref<1x256xi32, #tpu.memory_space<hbm>>
    %dma_start3A_42 = tpu.memref_squeeze %dma_start3A_41 : memref<1x256xi32, #tpu.memory_space<hbm>> -> memref<256xi32, #tpu.memory_space<hbm>>
    tpu.enqueue_dma source(%dma_start3A_42 : memref<256xi32, #tpu.memory_space<hbm>>) target(%arg8 : memref<256xi32, #tpu.memory_space<vmem>>) target_semaphore(%arg12 : memref<!tpu.dma_semaphore, #tpu.memory_space<semaphore_mem>>)
    %get3A = arith.constant 0 : index
    %get3A_43 = tpu.vector_load %arg7[%get3A] {strides = array<i32>} : memref<256xi32, #tpu.memory_space<vmem>>, vector<16xi32>,
    %gather3A = tpu.vector_load_idx %arg5[%get3A_43] : memref<32000xf32, #tpu.memory_space<vmem>>[vector<16xi32>], vector<16xf32>,
    %gt3A = arith.constant 0.000000e+00 : f32
    %gt3A_44 = vector.broadcast %gt3A : f32 to vector<16xf32>
    %gt3A_45 = arith.cmpf ogt, %gather3A, %gt3A_44 : vector<16xf32>
    %div3A = arith.constant 1.100000e+00 : f32
    %div3A_46 = vector.broadcast %div3A : f32 to vector<16xf32>
    %div3A_47 = arith.divf %gather3A, %div3A_46 : vector<16xf32>
    %mul3A_48 = arith.constant 1.100000e+00 : f32
    %mul3A_49 = vector.broadcast %mul3A_48 : f32 to vector<16xf32>
    %mul3A_50 = arith.mulf %gather3A, %mul3A_49 : vector<16xf32>
    %select_n3A = arith.select %gt3A_45, %div3A_47, %mul3A_50 : vector<16xi1>, vector<16xf32>
    %get3A_51 = arith.constant 16 : index
    %get3A_52 = tpu.vector_load %arg7[%get3A_51] {strides = array<i32>} : memref<256xi32, #tpu.memory_space<vmem>>, vector<16xi32>,
    %gather3A_53 = tpu.vector_load_idx %arg5[%get3A_52] : memref<32000xf32, #tpu.memory_space<vmem>>[vector<16xi32>], vector<16xf32>,
    %gt3A_54 = arith.constant 0.000000e+00 : f32
    %gt3A_55 = vector.broadcast %gt3A_54 : f32 to vector<16xf32>
    %gt3A_56 = arith.cmpf ogt, %gather3A_53, %gt3A_55 : vector<16xf32>
    %div3A_57 = arith.constant 1.100000e+00 : f32
    %div3A_58 = vector.broadcast %div3A_57 : f32 to vector<16xf32>
    %div3A_59 = arith.divf %gather3A_53, %div3A_58 : vector<16xf32>
    %mul3A_60 = arith.constant 1.100000e+00 : f32
    %mul3A_61 = vector.broadcast %mul3A_60 : f32 to vector<16xf32>
    %mul3A_62 = arith.mulf %gather3A_53, %mul3A_61 : vector<16xf32>
    %select_n3A_63 = arith.select %gt3A_56, %div3A_59, %mul3A_62 : vector<16xi1>, vector<16xf32>
    %get3A_64 = arith.constant 32 : index
    %get3A_65 = tpu.vector_load %arg7[%get3A_64] {strides = array<i32>} : memref<256xi32, #tpu.memory_space<vmem>>, vector<16xi32>,
    %gather3A_66 = tpu.vector_load_idx %arg5[%get3A_65] : memref<32000xf32, #tpu.memory_space<vmem>>[vector<16xi32>], vector<16xf32>,
    %gt3A_67 = arith.constant 0.000000e+00 : f32
    %gt3A_68 = vector.broadcast %gt3A_67 : f32 to vector<16xf32>
    %gt3A_69 = arith.cmpf ogt, %gather3A_66, %gt3A_68 : vector<16xf32>
    %div3A_70 = arith.constant 1.100000e+00 : f32
    %div3A_71 = vector.broadcast %div3A_70 : f32 to vector<16xf32>
    %div3A_72 = arith.divf %gather3A_66, %div3A_71 : vector<16xf32>
    %mul3A_73 = arith.constant 1.100000e+00 : f32
    %mul3A_74 = vector.broadcast %mul3A_73 : f32 to vector<16xf32>
    %mul3A_75 = arith.mulf %gather3A_66, %mul3A_74 : vector<16xf32>
    %select_n3A_76 = arith.select %gt3A_69, %div3A_72, %mul3A_75 : vector<16xi1>, vector<16xf32>
    %get3A_77 = arith.constant 48 : index
    %get3A_78 = tpu.vector_load %arg7[%get3A_77] {strides = array<i32>} : memref<256xi32, #tpu.memory_space<vmem>>, vector<16xi32>,
    %gather3A_79 = tpu.vector_load_idx %arg5[%get3A_78] : memref<32000xf32, #tpu.memory_space<vmem>>[vector<16xi32>], vector<16xf32>,
    %gt3A_80 = arith.constant 0.000000e+00 : f32
    %gt3A_81 = vector.broadcast %gt3A_80 : f32 to vector<16xf32>
    %gt3A_82 = arith.cmpf ogt, %gather3A_79, %gt3A_81 : vector<16xf32>
    %div3A_83 = arith.constant 1.100000e+00 : f32
    %div3A_84 = vector.broadcast %div3A_83 : f32 to vector<16xf32>
    %div3A_85 = arith.divf %gather3A_79, %div3A_84 : vector<16xf32>
    %mul3A_86 = arith.constant 1.100000e+00 : f32
    %mul3A_87 = vector.broadcast %mul3A_86 : f32 to vector<16xf32>
    %mul3A_88 = arith.mulf %gather3A_79, %mul3A_87 : vector<16xf32>
    %select_n3A_89 = arith.select %gt3A_82, %div3A_85, %mul3A_88 : vector<16xi1>, vector<16xf32>
    %get3A_90 = arith.constant 64 : index
    %get3A_91 = tpu.vector_load %arg7[%get3A_90] {strides = array<i32>} : memref<256xi32, #tpu.memory_space<vmem>>, vector<16xi32>,
    %gather3A_92 = tpu.vector_load_idx %arg5[%get3A_91] : memref<32000xf32, #tpu.memory_space<vmem>>[vector<16xi32>], vector<16xf32>,
    %gt3A_93 = arith.constant 0.000000e+00 : f32
    %gt3A_94 = vector.broadcast %gt3A_93 : f32 to vector<16xf32>
    %gt3A_95 = arith.cmpf ogt, %gather3A_92, %gt3A_94 : vector<16xf32>
    %div3A_96 = arith.constant 1.100000e+00 : f32
    %div3A_97 = vector.broadcast %div3A_96 : f32 to vector<16xf32>
    %div3A_98 = arith.divf %gather3A_92, %div3A_97 : vector<16xf32>
    %mul3A_99 = arith.constant 1.100000e+00 : f32
    %mul3A_100 = vector.broadcast %mul3A_99 : f32 to vector<16xf32>
    %mul3A_101 = arith.mulf %gather3A_92, %mul3A_100 : vector<16xf32>
    %select_n3A_102 = arith.select %gt3A_95, %div3A_98, %mul3A_101 : vector<16xi1>, vector<16xf32>
    %get3A_103 = arith.constant 80 : index
    %get3A_104 = tpu.vector_load %arg7[%get3A_103] {strides = array<i32>} : memref<256xi32, #tpu.memory_space<vmem>>, vector<16xi32>,
    %gather3A_105 = tpu.vector_load_idx %arg5[%get3A_104] : memref<32000xf32, #tpu.memory_space<vmem>>[vector<16xi32>], vector<16xf32>,
    %gt3A_106 = arith.constant 0.000000e+00 : f32
    %gt3A_107 = vector.broadcast %gt3A_106 : f32 to vector<16xf32>
    %gt3A_108 = arith.cmpf ogt, %gather3A_105, %gt3A_107 : vector<16xf32>
    %div3A_109 = arith.constant 1.100000e+00 : f32
    %div3A_110 = vector.broadcast %div3A_109 : f32 to vector<16xf32>
    %div3A_111 = arith.divf %gather3A_105, %div3A_110 : vector<16xf32>
    %mul3A_112 = arith.constant 1.100000e+00 : f32
    %mul3A_113 = vector.broadcast %mul3A_112 : f32 to vector<16xf32>
    %mul3A_114 = arith.mulf %gather3A_105, %mul3A_113 : vector<16xf32>
    %select_n3A_115 = arith.select %gt3A_108, %div3A_111, %mul3A_114 : vector<16xi1>, vector<16xf32>
    %get3A_116 = arith.constant 96 : index
    %get3A_117 = tpu.vector_load %arg7[%get3A_116] {strides = array<i32>} : memref<256xi32, #tpu.memory_space<vmem>>, vector<16xi32>,
    %gather3A_118 = tpu.vector_load_idx %arg5[%get3A_117] : memref<32000xf32, #tpu.memory_space<vmem>>[vector<16xi32>], vector<16xf32>,
    %gt3A_119 = arith.constant 0.000000e+00 : f32
    %gt3A_120 = vector.broadcast %gt3A_119 : f32 to vector<16xf32>
    %gt3A_121 = arith.cmpf ogt, %gather3A_118, %gt3A_120 : vector<16xf32>
    %div3A_122 = arith.constant 1.100000e+00 : f32
    %div3A_123 = vector.broadcast %div3A_122 : f32 to vector<16xf32>
    %div3A_124 = arith.divf %gather3A_118, %div3A_123 : vector<16xf32>
    %mul3A_125 = arith.constant 1.100000e+00 : f32
    %mul3A_126 = vector.broadcast %mul3A_125 : f32 to vector<16xf32>
    %mul3A_127 = arith.mulf %gather3A_118, %mul3A_126 : vector<16xf32>
    %select_n3A_128 = arith.select %gt3A_121, %div3A_124, %mul3A_127 : vector<16xi1>, vector<16xf32>
    %get3A_129 = arith.constant 112 : index
    %get3A_130 = tpu.vector_load %arg7[%get3A_129] {strides = array<i32>} : memref<256xi32, #tpu.memory_space<vmem>>, vector<16xi32>,
    %gather3A_131 = tpu.vector_load_idx %arg5[%get3A_130] : memref<32000xf32, #tpu.memory_space<vmem>>[vector<16xi32>], vector<16xf32>,
    %gt3A_132 = arith.constant 0.000000e+00 : f32
    %gt3A_133 = vector.broadcast %gt3A_132 : f32 to vector<16xf32>
    %gt3A_134 = arith.cmpf ogt, %gather3A_131, %gt3A_133 : vector<16xf32>
    %div3A_135 = arith.constant 1.100000e+00 : f32
    %div3A_136 = vector.broadcast %div3A_135 : f32 to vector<16xf32>
    %div3A_137 = arith.divf %gather3A_131, %div3A_136 : vector<16xf32>
    %mul3A_138 = arith.constant 1.100000e+00 : f32
    %mul3A_139 = vector.broadcast %mul3A_138 : f32 to vector<16xf32>
    %mul3A_140 = arith.mulf %gather3A_131, %mul3A_139 : vector<16xf32>
    %select_n3A_141 = arith.select %gt3A_134, %div3A_137, %mul3A_140 : vector<16xi1>, vector<16xf32>
    %get3A_142 = arith.constant 128 : index
    %get3A_143 = tpu.vector_load %arg7[%get3A_142] {strides = array<i32>} : memref<256xi32, #tpu.memory_space<vmem>>, vector<16xi32>,
    %gather3A_144 = tpu.vector_load_idx %arg5[%get3A_143] : memref<32000xf32, #tpu.memory_space<vmem>>[vector<16xi32>], vector<16xf32>,
    %gt3A_145 = arith.constant 0.000000e+00 : f32
    %gt3A_146 = vector.broadcast %gt3A_145 : f32 to vector<16xf32>
    %gt3A_147 = arith.cmpf ogt, %gather3A_144, %gt3A_146 : vector<16xf32>
    %div3A_148 = arith.constant 1.100000e+00 : f32
    %div3A_149 = vector.broadcast %div3A_148 : f32 to vector<16xf32>
    %div3A_150 = arith.divf %gather3A_144, %div3A_149 : vector<16xf32>
    %mul3A_151 = arith.constant 1.100000e+00 : f32
    %mul3A_152 = vector.broadcast %mul3A_151 : f32 to vector<16xf32>
    %mul3A_153 = arith.mulf %gather3A_144, %mul3A_152 : vector<16xf32>
    %select_n3A_154 = arith.select %gt3A_147, %div3A_150, %mul3A_153 : vector<16xi1>, vector<16xf32>
    %get3A_155 = arith.constant 144 : index
    %get3A_156 = tpu.vector_load %arg7[%get3A_155] {strides = array<i32>} : memref<256xi32, #tpu.memory_space<vmem>>, vector<16xi32>,
    %gather3A_157 = tpu.vector_load_idx %arg5[%get3A_156] : memref<32000xf32, #tpu.memory_space<vmem>>[vector<16xi32>], vector<16xf32>,
    %gt3A_158 = arith.constant 0.000000e+00 : f32
    %gt3A_159 = vector.broadcast %gt3A_158 : f32 to vector<16xf32>
    %gt3A_160 = arith.cmpf ogt, %gather3A_157, %gt3A_159 : vector<16xf32>
    %div3A_161 = arith.constant 1.100000e+00 : f32
    %div3A_162 = vector.broadcast %div3A_161 : f32 to vector<16xf32>
    %div3A_163 = arith.divf %gather3A_157, %div3A_162 : vector<16xf32>
    %mul3A_164 = arith.constant 1.100000e+00 : f32
    %mul3A_165 = vector.broadcast %mul3A_164 : f32 to vector<16xf32>
    %mul3A_166 = arith.mulf %gather3A_157, %mul3A_165 : vector<16xf32>
    %select_n3A_167 = arith.select %gt3A_160, %div3A_163, %mul3A_166 : vector<16xi1>, vector<16xf32>
    %get3A_168 = arith.constant 160 : index
    %get3A_169 = tpu.vector_load %arg7[%get3A_168] {strides = array<i32>} : memref<256xi32, #tpu.memory_space<vmem>>, vector<16xi32>,
    %gather3A_170 = tpu.vector_load_idx %arg5[%get3A_169] : memref<32000xf32, #tpu.memory_space<vmem>>[vector<16xi32>], vector<16xf32>,
    %gt3A_171 = arith.constant 0.000000e+00 : f32
    %gt3A_172 = vector.broadcast %gt3A_171 : f32 to vector<16xf32>
    %gt3A_173 = arith.cmpf ogt, %gather3A_170, %gt3A_172 : vector<16xf32>
    %div3A_174 = arith.constant 1.100000e+00 : f32
    %div3A_175 = vector.broadcast %div3A_174 : f32 to vector<16xf32>
    %div3A_176 = arith.divf %gather3A_170, %div3A_175 : vector<16xf32>
    %mul3A_177 = arith.constant 1.100000e+00 : f32
    %mul3A_178 = vector.broadcast %mul3A_177 : f32 to vector<16xf32>
    %mul3A_179 = arith.mulf %gather3A_170, %mul3A_178 : vector<16xf32>
    %select_n3A_180 = arith.select %gt3A_173, %div3A_176, %mul3A_179 : vector<16xi1>, vector<16xf32>
    %get3A_181 = arith.constant 176 : index
    %get3A_182 = tpu.vector_load %arg7[%get3A_181] {strides = array<i32>} : memref<256xi32, #tpu.memory_space<vmem>>, vector<16xi32>,
    %gather3A_183 = tpu.vector_load_idx %arg5[%get3A_182] : memref<32000xf32, #tpu.memory_space<vmem>>[vector<16xi32>], vector<16xf32>,
    %gt3A_184 = arith.constant 0.000000e+00 : f32
    %gt3A_185 = vector.broadcast %gt3A_184 : f32 to vector<16xf32>
    %gt3A_186 = arith.cmpf ogt, %gather3A_183, %gt3A_185 : vector<16xf32>
    %div3A_187 = arith.constant 1.100000e+00 : f32
    %div3A_188 = vector.broadcast %div3A_187 : f32 to vector<16xf32>
    %div3A_189 = arith.divf %gather3A_183, %div3A_188 : vector<16xf32>
    %mul3A_190 = arith.constant 1.100000e+00 : f32
    %mul3A_191 = vector.broadcast %mul3A_190 : f32 to vector<16xf32>
    %mul3A_192 = arith.mulf %gather3A_183, %mul3A_191 : vector<16xf32>
    %select_n3A_193 = arith.select %gt3A_186, %div3A_189, %mul3A_192 : vector<16xi1>, vector<16xf32>
    %get3A_194 = arith.constant 192 : index
    %get3A_195 = tpu.vector_load %arg7[%get3A_194] {strides = array<i32>} : memref<256xi32, #tpu.memory_space<vmem>>, vector<16xi32>,
    %gather3A_196 = tpu.vector_load_idx %arg5[%get3A_195] : memref<32000xf32, #tpu.memory_space<vmem>>[vector<16xi32>], vector<16xf32>,
    %gt3A_197 = arith.constant 0.000000e+00 : f32
    %gt3A_198 = vector.broadcast %gt3A_197 : f32 to vector<16xf32>
    %gt3A_199 = arith.cmpf ogt, %gather3A_196, %gt3A_198 : vector<16xf32>
    %div3A_200 = arith.constant 1.100000e+00 : f32
    %div3A_201 = vector.broadcast %div3A_200 : f32 to vector<16xf32>
    %div3A_202 = arith.divf %gather3A_196, %div3A_201 : vector<16xf32>
    %mul3A_203 = arith.constant 1.100000e+00 : f32
    %mul3A_204 = vector.broadcast %mul3A_203 : f32 to vector<16xf32>
    %mul3A_205 = arith.mulf %gather3A_196, %mul3A_204 : vector<16xf32>
    %select_n3A_206 = arith.select %gt3A_199, %div3A_202, %mul3A_205 : vector<16xi1>, vector<16xf32>
    %get3A_207 = arith.constant 208 : index
    %get3A_208 = tpu.vector_load %arg7[%get3A_207] {strides = array<i32>} : memref<256xi32, #tpu.memory_space<vmem>>, vector<16xi32>,
    %gather3A_209 = tpu.vector_load_idx %arg5[%get3A_208] : memref<32000xf32, #tpu.memory_space<vmem>>[vector<16xi32>], vector<16xf32>,
    %gt3A_210 = arith.constant 0.000000e+00 : f32
    %gt3A_211 = vector.broadcast %gt3A_210 : f32 to vector<16xf32>
    %gt3A_212 = arith.cmpf ogt, %gather3A_209, %gt3A_211 : vector<16xf32>
    %div3A_213 = arith.constant 1.100000e+00 : f32
    %div3A_214 = vector.broadcast %div3A_213 : f32 to vector<16xf32>
    %div3A_215 = arith.divf %gather3A_209, %div3A_214 : vector<16xf32>
    %mul3A_216 = arith.constant 1.100000e+00 : f32
    %mul3A_217 = vector.broadcast %mul3A_216 : f32 to vector<16xf32>
    %mul3A_218 = arith.mulf %gather3A_209, %mul3A_217 : vector<16xf32>
    %select_n3A_219 = arith.select %gt3A_212, %div3A_215, %mul3A_218 : vector<16xi1>, vector<16xf32>
    %get3A_220 = arith.constant 224 : index
    %get3A_221 = tpu.vector_load %arg7[%get3A_220] {strides = array<i32>} : memref<256xi32, #tpu.memory_space<vmem>>, vector<16xi32>,
    %gather3A_222 = tpu.vector_load_idx %arg5[%get3A_221] : memref<32000xf32, #tpu.memory_space<vmem>>[vector<16xi32>], vector<16xf32>,
    %gt3A_223 = arith.constant 0.000000e+00 : f32
    %gt3A_224 = vector.broadcast %gt3A_223 : f32 to vector<16xf32>
    %gt3A_225 = arith.cmpf ogt, %gather3A_222, %gt3A_224 : vector<16xf32>
    %div3A_226 = arith.constant 1.100000e+00 : f32
    %div3A_227 = vector.broadcast %div3A_226 : f32 to vector<16xf32>
    %div3A_228 = arith.divf %gather3A_222, %div3A_227 : vector<16xf32>
    %mul3A_229 = arith.constant 1.100000e+00 : f32
    %mul3A_230 = vector.broadcast %mul3A_229 : f32 to vector<16xf32>
    %mul3A_231 = arith.mulf %gather3A_222, %mul3A_230 : vector<16xf32>
    %select_n3A_232 = arith.select %gt3A_225, %div3A_228, %mul3A_231 : vector<16xi1>, vector<16xf32>
    %get3A_233 = arith.constant 240 : index
    %get3A_234 = tpu.vector_load %arg7[%get3A_233] {strides = array<i32>} : memref<256xi32, #tpu.memory_space<vmem>>, vector<16xi32>,
    %gather3A_235 = tpu.vector_load_idx %arg5[%get3A_234] : memref<32000xf32, #tpu.memory_space<vmem>>[vector<16xi32>], vector<16xf32>,
    %gt3A_236 = arith.constant 0.000000e+00 : f32
    %gt3A_237 = vector.broadcast %gt3A_236 : f32 to vector<16xf32>
    %gt3A_238 = arith.cmpf ogt, %gather3A_235, %gt3A_237 : vector<16xf32>
    %div3A_239 = arith.constant 1.100000e+00 : f32
    %div3A_240 = vector.broadcast %div3A_239 : f32 to vector<16xf32>
    %div3A_241 = arith.divf %gather3A_235, %div3A_240 : vector<16xf32>
    %mul3A_242 = arith.constant 1.100000e+00 : f32
    %mul3A_243 = vector.broadcast %mul3A_242 : f32 to vector<16xf32>
    %mul3A_244 = arith.mulf %gather3A_235, %mul3A_243 : vector<16xf32>
    %select_n3A_245 = arith.select %gt3A_238, %div3A_241, %mul3A_244 : vector<16xi1>, vector<16xf32>
    tpu.vector_store_idx %arg5[%get3A_43], %select_n3A : memref<32000xf32, #tpu.memory_space<vmem>>[vector<16xi32>], vector<16xf32>,
    tpu.vector_store_idx %arg5[%get3A_52], %select_n3A_63 : memref<32000xf32, #tpu.memory_space<vmem>>[vector<16xi32>], vector<16xf32>,
    tpu.vector_store_idx %arg5[%get3A_65], %select_n3A_76 : memref<32000xf32, #tpu.memory_space<vmem>>[vector<16xi32>], vector<16xf32>,
    tpu.vector_store_idx %arg5[%get3A_78], %select_n3A_89 : memref<32000xf32, #tpu.memory_space<vmem>>[vector<16xi32>], vector<16xf32>,
    tpu.vector_store_idx %arg5[%get3A_91], %select_n3A_102 : memref<32000xf32, #tpu.memory_space<vmem>>[vector<16xi32>], vector<16xf32>,
    tpu.vector_store_idx %arg5[%get3A_104], %select_n3A_115 : memref<32000xf32, #tpu.memory_space<vmem>>[vector<16xi32>], vector<16xf32>,
    tpu.vector_store_idx %arg5[%get3A_117], %select_n3A_128 : memref<32000xf32, #tpu.memory_space<vmem>>[vector<16xi32>], vector<16xf32>,
    tpu.vector_store_idx %arg5[%get3A_130], %select_n3A_141 : memref<32000xf32, #tpu.memory_space<vmem>>[vector<16xi32>], vector<16xf32>,
    tpu.vector_store_idx %arg5[%get3A_143], %select_n3A_154 : memref<32000xf32, #tpu.memory_space<vmem>>[vector<16xi32>], vector<16xf32>,
    tpu.vector_store_idx %arg5[%get3A_156], %select_n3A_167 : memref<32000xf32, #tpu.memory_space<vmem>>[vector<16xi32>], vector<16xf32>,
    tpu.vector_store_idx %arg5[%get3A_169], %select_n3A_180 : memref<32000xf32, #tpu.memory_space<vmem>>[vector<16xi32>], vector<16xf32>,
    tpu.vector_store_idx %arg5[%get3A_182], %select_n3A_193 : memref<32000xf32, #tpu.memory_space<vmem>>[vector<16xi32>], vector<16xf32>,
    tpu.vector_store_idx %arg5[%get3A_195], %select_n3A_206 : memref<32000xf32, #tpu.memory_space<vmem>>[vector<16xi32>], vector<16xf32>,
    tpu.vector_store_idx %arg5[%get3A_208], %select_n3A_219 : memref<32000xf32, #tpu.memory_space<vmem>>[vector<16xi32>], vector<16xf32>,
    tpu.vector_store_idx %arg5[%get3A_221], %select_n3A_232 : memref<32000xf32, #tpu.memory_space<vmem>>[vector<16xi32>], vector<16xf32>,
    tpu.vector_store_idx %arg5[%get3A_234], %select_n3A_245 : memref<32000xf32, #tpu.memory_space<vmem>>[vector<16xi32>], vector<16xf32>,
    %dma_start3A_246 = arith.constant 0 : i32
    %dma_start3A_247 = tpu.memref_slice %arg4[%add3A_15, %dma_start3A_246] : memref<128x32000xf32, #tpu.memory_space<hbm>> -> memref<1x32000xf32, #tpu.memory_space<hbm>>
    %dma_start3A_248 = tpu.memref_squeeze %dma_start3A_247 : memref<1x32000xf32, #tpu.memory_space<hbm>> -> memref<32000xf32, #tpu.memory_space<hbm>>
    %dma_start3A_249 = arith.constant 0 : i32
    %dma_start3A_250 = tpu.memref_slice %arg4[%add3A_15, %dma_start3A_249] : memref<128x32000xf32, #tpu.memory_space<hbm>> -> memref<1x32000xf32, #tpu.memory_space<hbm>>
    %dma_start3A_251 = tpu.memref_squeeze %dma_start3A_250 : memref<1x32000xf32, #tpu.memory_space<hbm>> -> memref<32000xf32, #tpu.memory_space<hbm>>
    tpu.enqueue_dma source(%arg5 : memref<32000xf32, #tpu.memory_space<vmem>>) target(%dma_start3A_251 : memref<32000xf32, #tpu.memory_space<hbm>>) target_semaphore(%arg13 : memref<!tpu.dma_semaphore, #tpu.memory_space<semaphore_mem>>)
    %add3A_252 = arith.constant 1 : i32
    %add3A_253 = arith.addi %mul3A_2, %add3A_252 : i32
    %dma_wait3A_254 = arith.constant 0 : i32
    %dma_wait3A_255 = tpu.memref_slice %arg2[%add3A_28, %dma_wait3A_254] : memref<128x32000xf32, #tpu.memory_space<hbm>> -> memref<1x32000xf32, #tpu.memory_space<hbm>>
    %dma_wait3A_256 = tpu.memref_squeeze %dma_wait3A_255 : memref<1x32000xf32, #tpu.memory_space<hbm>> -> memref<32000xf32, #tpu.memory_space<hbm>>
    %dma_wait3A_257 = arith.constant 0 : i32
    %dma_wait3A_258 = tpu.memref_slice %arg2[%add3A_28, %dma_wait3A_257] : memref<128x32000xf32, #tpu.memory_space<hbm>> -> memref<1x32000xf32, #tpu.memory_space<hbm>>
    %dma_wait3A_259 = tpu.memref_squeeze %dma_wait3A_258 : memref<1x32000xf32, #tpu.memory_space<hbm>> -> memref<32000xf32, #tpu.memory_space<hbm>>
    tpu.wait_dma2 semaphore(%arg10 : memref<!tpu.dma_semaphore, #tpu.memory_space<semaphore_mem>>) src(%dma_wait3A_259 : memref<32000xf32, #tpu.memory_space<hbm>>) dst(%arg6 : memref<32000xf32, #tpu.memory_space<vmem>>)
    %dma_wait3A_260 = arith.constant 0 : i32
    %dma_wait3A_261 = tpu.memref_slice %arg3[%add3A_36, %dma_wait3A_260] : memref<128x256xi32, #tpu.memory_space<hbm>> -> memref<1x256xi32, #tpu.memory_space<hbm>>
    %dma_wait3A_262 = tpu.memref_squeeze %dma_wait3A_261 : memref<1x256xi32, #tpu.memory_space<hbm>> -> memref<256xi32, #tpu.memory_space<hbm>>
    %dma_wait3A_263 = arith.constant 0 : i32
    %dma_wait3A_264 = tpu.memref_slice %arg3[%add3A_36, %dma_wait3A_263] : memref<128x256xi32, #tpu.memory_space<hbm>> -> memref<1x256xi32, #tpu.memory_space<hbm>>
    %dma_wait3A_265 = tpu.memref_squeeze %dma_wait3A_264 : memref<1x256xi32, #tpu.memory_space<hbm>> -> memref<256xi32, #tpu.memory_space<hbm>>
    tpu.wait_dma2 semaphore(%arg12 : memref<!tpu.dma_semaphore, #tpu.memory_space<semaphore_mem>>) src(%dma_wait3A_265 : memref<256xi32, #tpu.memory_space<hbm>>) dst(%arg8 : memref<256xi32, #tpu.memory_space<vmem>>)
    %dma_wait3A_266 = arith.constant 0 : i32
    %dma_wait3A_267 = tpu.memref_slice %arg4[%add3A_15, %dma_wait3A_266] : memref<128x32000xf32, #tpu.memory_space<hbm>> -> memref<1x32000xf32, #tpu.memory_space<hbm>>
    %dma_wait3A_268 = tpu.memref_squeeze %dma_wait3A_267 : memref<1x32000xf32, #tpu.memory_space<hbm>> -> memref<32000xf32, #tpu.memory_space<hbm>>
    %dma_wait3A_269 = arith.constant 0 : i32
    %dma_wait3A_270 = tpu.memref_slice %arg4[%add3A_15, %dma_wait3A_269] : memref<128x32000xf32, #tpu.memory_space<hbm>> -> memref<1x32000xf32, #tpu.memory_space<hbm>>
    %dma_wait3A_271 = tpu.memref_squeeze %dma_wait3A_270 : memref<1x32000xf32, #tpu.memory_space<hbm>> -> memref<32000xf32, #tpu.memory_space<hbm>>
    tpu.wait_dma2 semaphore(%arg13 : memref<!tpu.dma_semaphore, #tpu.memory_space<semaphore_mem>>) src(%arg5 : memref<32000xf32, #tpu.memory_space<vmem>>) dst(%dma_wait3A_271 : memref<32000xf32, #tpu.memory_space<hbm>>)
    %add3A_272 = arith.constant 1 : i32
    %add3A_273 = arith.addi %add3A_253, %add3A_272 : i32
    %dma_start3A_274 = arith.constant 0 : i32
    %dma_start3A_275 = tpu.memref_slice %arg2[%add3A_273, %dma_start3A_274] : memref<128x32000xf32, #tpu.memory_space<hbm>> -> memref<1x32000xf32, #tpu.memory_space<hbm>>
    %dma_start3A_276 = tpu.memref_squeeze %dma_start3A_275 : memref<1x32000xf32, #tpu.memory_space<hbm>> -> memref<32000xf32, #tpu.memory_space<hbm>>
    %dma_start3A_277 = arith.constant 0 : i32
    %dma_start3A_278 = tpu.memref_slice %arg2[%add3A_273, %dma_start3A_277] : memref<128x32000xf32, #tpu.memory_space<hbm>> -> memref<1x32000xf32, #tpu.memory_space<hbm>>
    %dma_start3A_279 = tpu.memref_squeeze %dma_start3A_278 : memref<1x32000xf32, #tpu.memory_space<hbm>> -> memref<32000xf32, #tpu.memory_space<hbm>>
    tpu.enqueue_dma source(%dma_start3A_279 : memref<32000xf32, #tpu.memory_space<hbm>>) target(%arg5 : memref<32000xf32, #tpu.memory_space<vmem>>) target_semaphore(%arg9 : memref<!tpu.dma_semaphore, #tpu.memory_space<semaphore_mem>>)
    %add3A_280 = arith.constant 1 : i32
    %add3A_281 = arith.addi %add3A_253, %add3A_280 : i32
    %dma_start3A_282 = arith.constant 0 : i32
    %dma_start3A_283 = tpu.memref_slice %arg3[%add3A_281, %dma_start3A_282] : memref<128x256xi32, #tpu.memory_space<hbm>> -> memref<1x256xi32, #tpu.memory_space<hbm>>
    %dma_start3A_284 = tpu.memref_squeeze %dma_start3A_283 : memref<1x256xi32, #tpu.memory_space<hbm>> -> memref<256xi32, #tpu.memory_space<hbm>>
    %dma_start3A_285 = arith.constant 0 : i32
    %dma_start3A_286 = tpu.memref_slice %arg3[%add3A_281, %dma_start3A_285] : memref<128x256xi32, #tpu.memory_space<hbm>> -> memref<1x256xi32, #tpu.memory_space<hbm>>
    %dma_start3A_287 = tpu.memref_squeeze %dma_start3A_286 : memref<1x256xi32, #tpu.memory_space<hbm>> -> memref<256xi32, #tpu.memory_space<hbm>>
    tpu.enqueue_dma source(%dma_start3A_287 : memref<256xi32, #tpu.memory_space<hbm>>) target(%arg7 : memref<256xi32, #tpu.memory_space<vmem>>) target_semaphore(%arg11 : memref<!tpu.dma_semaphore, #tpu.memory_space<semaphore_mem>>)
    %get3A_288 = arith.constant 0 : index
    %get3A_289 = tpu.vector_load %arg8[%get3A_288] {strides = array<i32>} : memref<256xi32, #tpu.memory_space<vmem>>, vector<16xi32>,
    %gather3A_290 = tpu.vector_load_idx %arg6[%get3A_289] : memref<32000xf32, #tpu.memory_space<vmem>>[vector<16xi32>], vector<16xf32>,
    %gt3A_291 = arith.constant 0.000000e+00 : f32
    %gt3A_292 = vector.broadcast %gt3A_291 : f32 to vector<16xf32>
    %gt3A_293 = arith.cmpf ogt, %gather3A_290, %gt3A_292 : vector<16xf32>
    %div3A_294 = arith.constant 1.100000e+00 : f32
    %div3A_295 = vector.broadcast %div3A_294 : f32 to vector<16xf32>
    %div3A_296 = arith.divf %gather3A_290, %div3A_295 : vector<16xf32>
    %mul3A_297 = arith.constant 1.100000e+00 : f32
    %mul3A_298 = vector.broadcast %mul3A_297 : f32 to vector<16xf32>
    %mul3A_299 = arith.mulf %gather3A_290, %mul3A_298 : vector<16xf32>
    %select_n3A_300 = arith.select %gt3A_293, %div3A_296, %mul3A_299 : vector<16xi1>, vector<16xf32>
    %get3A_301 = arith.constant 16 : index
    %get3A_302 = tpu.vector_load %arg8[%get3A_301] {strides = array<i32>} : memref<256xi32, #tpu.memory_space<vmem>>, vector<16xi32>,
    %gather3A_303 = tpu.vector_load_idx %arg6[%get3A_302] : memref<32000xf32, #tpu.memory_space<vmem>>[vector<16xi32>], vector<16xf32>,
    %gt3A_304 = arith.constant 0.000000e+00 : f32
    %gt3A_305 = vector.broadcast %gt3A_304 : f32 to vector<16xf32>
    %gt3A_306 = arith.cmpf ogt, %gather3A_303, %gt3A_305 : vector<16xf32>
    %div3A_307 = arith.constant 1.100000e+00 : f32
    %div3A_308 = vector.broadcast %div3A_307 : f32 to vector<16xf32>
    %div3A_309 = arith.divf %gather3A_303, %div3A_308 : vector<16xf32>
    %mul3A_310 = arith.constant 1.100000e+00 : f32
    %mul3A_311 = vector.broadcast %mul3A_310 : f32 to vector<16xf32>
    %mul3A_312 = arith.mulf %gather3A_303, %mul3A_311 : vector<16xf32>
    %select_n3A_313 = arith.select %gt3A_306, %div3A_309, %mul3A_312 : vector<16xi1>, vector<16xf32>
    %get3A_314 = arith.constant 32 : index
    %get3A_315 = tpu.vector_load %arg8[%get3A_314] {strides = array<i32>} : memref<256xi32, #tpu.memory_space<vmem>>, vector<16xi32>,
    %gather3A_316 = tpu.vector_load_idx %arg6[%get3A_315] : memref<32000xf32, #tpu.memory_space<vmem>>[vector<16xi32>], vector<16xf32>,
    %gt3A_317 = arith.constant 0.000000e+00 : f32
    %gt3A_318 = vector.broadcast %gt3A_317 : f32 to vector<16xf32>
    %gt3A_319 = arith.cmpf ogt, %gather3A_316, %gt3A_318 : vector<16xf32>
    %div3A_320 = arith.constant 1.100000e+00 : f32
    %div3A_321 = vector.broadcast %div3A_320 : f32 to vector<16xf32>
    %div3A_322 = arith.divf %gather3A_316, %div3A_321 : vector<16xf32>
    %mul3A_323 = arith.constant 1.100000e+00 : f32
    %mul3A_324 = vector.broadcast %mul3A_323 : f32 to vector<16xf32>
    %mul3A_325 = arith.mulf %gather3A_316, %mul3A_324 : vector<16xf32>
    %select_n3A_326 = arith.select %gt3A_319, %div3A_322, %mul3A_325 : vector<16xi1>, vector<16xf32>
    %get3A_327 = arith.constant 48 : index
    %get3A_328 = tpu.vector_load %arg8[%get3A_327] {strides = array<i32>} : memref<256xi32, #tpu.memory_space<vmem>>, vector<16xi32>,
    %gather3A_329 = tpu.vector_load_idx %arg6[%get3A_328] : memref<32000xf32, #tpu.memory_space<vmem>>[vector<16xi32>], vector<16xf32>,
    %gt3A_330 = arith.constant 0.000000e+00 : f32
    %gt3A_331 = vector.broadcast %gt3A_330 : f32 to vector<16xf32>
    %gt3A_332 = arith.cmpf ogt, %gather3A_329, %gt3A_331 : vector<16xf32>
    %div3A_333 = arith.constant 1.100000e+00 : f32
    %div3A_334 = vector.broadcast %div3A_333 : f32 to vector<16xf32>
    %div3A_335 = arith.divf %gather3A_329, %div3A_334 : vector<16xf32>
    %mul3A_336 = arith.constant 1.100000e+00 : f32
    %mul3A_337 = vector.broadcast %mul3A_336 : f32 to vector<16xf32>
    %mul3A_338 = arith.mulf %gather3A_329, %mul3A_337 : vector<16xf32>
    %select_n3A_339 = arith.select %gt3A_332, %div3A_335, %mul3A_338 : vector<16xi1>, vector<16xf32>
    %get3A_340 = arith.constant 64 : index
    %get3A_341 = tpu.vector_load %arg8[%get3A_340] {strides = array<i32>} : memref<256xi32, #tpu.memory_space<vmem>>, vector<16xi32>,
    %gather3A_342 = tpu.vector_load_idx %arg6[%get3A_341] : memref<32000xf32, #tpu.memory_space<vmem>>[vector<16xi32>], vector<16xf32>,
    %gt3A_343 = arith.constant 0.000000e+00 : f32
    %gt3A_344 = vector.broadcast %gt3A_343 : f32 to vector<16xf32>
    %gt3A_345 = arith.cmpf ogt, %gather3A_342, %gt3A_344 : vector<16xf32>
    %div3A_346 = arith.constant 1.100000e+00 : f32
    %div3A_347 = vector.broadcast %div3A_346 : f32 to vector<16xf32>
    %div3A_348 = arith.divf %gather3A_342, %div3A_347 : vector<16xf32>
    %mul3A_349 = arith.constant 1.100000e+00 : f32
    %mul3A_350 = vector.broadcast %mul3A_349 : f32 to vector<16xf32>
    %mul3A_351 = arith.mulf %gather3A_342, %mul3A_350 : vector<16xf32>
    %select_n3A_352 = arith.select %gt3A_345, %div3A_348, %mul3A_351 : vector<16xi1>, vector<16xf32>
    %get3A_353 = arith.constant 80 : index
    %get3A_354 = tpu.vector_load %arg8[%get3A_353] {strides = array<i32>} : memref<256xi32, #tpu.memory_space<vmem>>, vector<16xi32>,
    %gather3A_355 = tpu.vector_load_idx %arg6[%get3A_354] : memref<32000xf32, #tpu.memory_space<vmem>>[vector<16xi32>], vector<16xf32>,
    %gt3A_356 = arith.constant 0.000000e+00 : f32
    %gt3A_357 = vector.broadcast %gt3A_356 : f32 to vector<16xf32>
    %gt3A_358 = arith.cmpf ogt, %gather3A_355, %gt3A_357 : vector<16xf32>
    %div3A_359 = arith.constant 1.100000e+00 : f32
    %div3A_360 = vector.broadcast %div3A_359 : f32 to vector<16xf32>
    %div3A_361 = arith.divf %gather3A_355, %div3A_360 : vector<16xf32>
    %mul3A_362 = arith.constant 1.100000e+00 : f32
    %mul3A_363 = vector.broadcast %mul3A_362 : f32 to vector<16xf32>
    %mul3A_364 = arith.mulf %gather3A_355, %mul3A_363 : vector<16xf32>
    %select_n3A_365 = arith.select %gt3A_358, %div3A_361, %mul3A_364 : vector<16xi1>, vector<16xf32>
    %get3A_366 = arith.constant 96 : index
    %get3A_367 = tpu.vector_load %arg8[%get3A_366] {strides = array<i32>} : memref<256xi32, #tpu.memory_space<vmem>>, vector<16xi32>,
    %gather3A_368 = tpu.vector_load_idx %arg6[%get3A_367] : memref<32000xf32, #tpu.memory_space<vmem>>[vector<16xi32>], vector<16xf32>,
    %gt3A_369 = arith.constant 0.000000e+00 : f32
    %gt3A_370 = vector.broadcast %gt3A_369 : f32 to vector<16xf32>
    %gt3A_371 = arith.cmpf ogt, %gather3A_368, %gt3A_370 : vector<16xf32>
    %div3A_372 = arith.constant 1.100000e+00 : f32
    %div3A_373 = vector.broadcast %div3A_372 : f32 to vector<16xf32>
    %div3A_374 = arith.divf %gather3A_368, %div3A_373 : vector<16xf32>
    %mul3A_375 = arith.constant 1.100000e+00 : f32
    %mul3A_376 = vector.broadcast %mul3A_375 : f32 to vector<16xf32>
    %mul3A_377 = arith.mulf %gather3A_368, %mul3A_376 : vector<16xf32>
    %select_n3A_378 = arith.select %gt3A_371, %div3A_374, %mul3A_377 : vector<16xi1>, vector<16xf32>
    %get3A_379 = arith.constant 112 : index
    %get3A_380 = tpu.vector_load %arg8[%get3A_379] {strides = array<i32>} : memref<256xi32, #tpu.memory_space<vmem>>, vector<16xi32>,
    %gather3A_381 = tpu.vector_load_idx %arg6[%get3A_380] : memref<32000xf32, #tpu.memory_space<vmem>>[vector<16xi32>], vector<16xf32>,
    %gt3A_382 = arith.constant 0.000000e+00 : f32
    %gt3A_383 = vector.broadcast %gt3A_382 : f32 to vector<16xf32>
    %gt3A_384 = arith.cmpf ogt, %gather3A_381, %gt3A_383 : vector<16xf32>
    %div3A_385 = arith.constant 1.100000e+00 : f32
    %div3A_386 = vector.broadcast %div3A_385 : f32 to vector<16xf32>
    %div3A_387 = arith.divf %gather3A_381, %div3A_386 : vector<16xf32>
    %mul3A_388 = arith.constant 1.100000e+00 : f32
    %mul3A_389 = vector.broadcast %mul3A_388 : f32 to vector<16xf32>
    %mul3A_390 = arith.mulf %gather3A_381, %mul3A_389 : vector<16xf32>
    %select_n3A_391 = arith.select %gt3A_384, %div3A_387, %mul3A_390 : vector<16xi1>, vector<16xf32>
    %get3A_392 = arith.constant 128 : index
    %get3A_393 = tpu.vector_load %arg8[%get3A_392] {strides = array<i32>} : memref<256xi32, #tpu.memory_space<vmem>>, vector<16xi32>,
    %gather3A_394 = tpu.vector_load_idx %arg6[%get3A_393] : memref<32000xf32, #tpu.memory_space<vmem>>[vector<16xi32>], vector<16xf32>,
    %gt3A_395 = arith.constant 0.000000e+00 : f32
    %gt3A_396 = vector.broadcast %gt3A_395 : f32 to vector<16xf32>
    %gt3A_397 = arith.cmpf ogt, %gather3A_394, %gt3A_396 : vector<16xf32>
    %div3A_398 = arith.constant 1.100000e+00 : f32
    %div3A_399 = vector.broadcast %div3A_398 : f32 to vector<16xf32>
    %div3A_400 = arith.divf %gather3A_394, %div3A_399 : vector<16xf32>
    %mul3A_401 = arith.constant 1.100000e+00 : f32
    %mul3A_402 = vector.broadcast %mul3A_401 : f32 to vector<16xf32>
    %mul3A_403 = arith.mulf %gather3A_394, %mul3A_402 : vector<16xf32>
    %select_n3A_404 = arith.select %gt3A_397, %div3A_400, %mul3A_403 : vector<16xi1>, vector<16xf32>
    %get3A_405 = arith.constant 144 : index
    %get3A_406 = tpu.vector_load %arg8[%get3A_405] {strides = array<i32>} : memref<256xi32, #tpu.memory_space<vmem>>, vector<16xi32>,
    %gather3A_407 = tpu.vector_load_idx %arg6[%get3A_406] : memref<32000xf32, #tpu.memory_space<vmem>>[vector<16xi32>], vector<16xf32>,
    %gt3A_408 = arith.constant 0.000000e+00 : f32
    %gt3A_409 = vector.broadcast %gt3A_408 : f32 to vector<16xf32>
    %gt3A_410 = arith.cmpf ogt, %gather3A_407, %gt3A_409 : vector<16xf32>
    %div3A_411 = arith.constant 1.100000e+00 : f32
    %div3A_412 = vector.broadcast %div3A_411 : f32 to vector<16xf32>
    %div3A_413 = arith.divf %gather3A_407, %div3A_412 : vector<16xf32>
    %mul3A_414 = arith.constant 1.100000e+00 : f32
    %mul3A_415 = vector.broadcast %mul3A_414 : f32 to vector<16xf32>
    %mul3A_416 = arith.mulf %gather3A_407, %mul3A_415 : vector<16xf32>
    %select_n3A_417 = arith.select %gt3A_410, %div3A_413, %mul3A_416 : vector<16xi1>, vector<16xf32>
    %get3A_418 = arith.constant 160 : index
    %get3A_419 = tpu.vector_load %arg8[%get3A_418] {strides = array<i32>} : memref<256xi32, #tpu.memory_space<vmem>>, vector<16xi32>,
    %gather3A_420 = tpu.vector_load_idx %arg6[%get3A_419] : memref<32000xf32, #tpu.memory_space<vmem>>[vector<16xi32>], vector<16xf32>,
    %gt3A_421 = arith.constant 0.000000e+00 : f32
    %gt3A_422 = vector.broadcast %gt3A_421 : f32 to vector<16xf32>
    %gt3A_423 = arith.cmpf ogt, %gather3A_420, %gt3A_422 : vector<16xf32>
    %div3A_424 = arith.constant 1.100000e+00 : f32
    %div3A_425 = vector.broadcast %div3A_424 : f32 to vector<16xf32>
    %div3A_426 = arith.divf %gather3A_420, %div3A_425 : vector<16xf32>
    %mul3A_427 = arith.constant 1.100000e+00 : f32
    %mul3A_428 = vector.broadcast %mul3A_427 : f32 to vector<16xf32>
    %mul3A_429 = arith.mulf %gather3A_420, %mul3A_428 : vector<16xf32>
    %select_n3A_430 = arith.select %gt3A_423, %div3A_426, %mul3A_429 : vector<16xi1>, vector<16xf32>
    %get3A_431 = arith.constant 176 : index
    %get3A_432 = tpu.vector_load %arg8[%get3A_431] {strides = array<i32>} : memref<256xi32, #tpu.memory_space<vmem>>, vector<16xi32>,
    %gather3A_433 = tpu.vector_load_idx %arg6[%get3A_432] : memref<32000xf32, #tpu.memory_space<vmem>>[vector<16xi32>], vector<16xf32>,
    %gt3A_434 = arith.constant 0.000000e+00 : f32
    %gt3A_435 = vector.broadcast %gt3A_434 : f32 to vector<16xf32>
    %gt3A_436 = arith.cmpf ogt, %gather3A_433, %gt3A_435 : vector<16xf32>
    %div3A_437 = arith.constant 1.100000e+00 : f32
    %div3A_438 = vector.broadcast %div3A_437 : f32 to vector<16xf32>
    %div3A_439 = arith.divf %gather3A_433, %div3A_438 : vector<16xf32>
    %mul3A_440 = arith.constant 1.100000e+00 : f32
    %mul3A_441 = vector.broadcast %mul3A_440 : f32 to vector<16xf32>
    %mul3A_442 = arith.mulf %gather3A_433, %mul3A_441 : vector<16xf32>
    %select_n3A_443 = arith.select %gt3A_436, %div3A_439, %mul3A_442 : vector<16xi1>, vector<16xf32>
    %get3A_444 = arith.constant 192 : index
    %get3A_445 = tpu.vector_load %arg8[%get3A_444] {strides = array<i32>} : memref<256xi32, #tpu.memory_space<vmem>>, vector<16xi32>,
    %gather3A_446 = tpu.vector_load_idx %arg6[%get3A_445] : memref<32000xf32, #tpu.memory_space<vmem>>[vector<16xi32>], vector<16xf32>,
    %gt3A_447 = arith.constant 0.000000e+00 : f32
    %gt3A_448 = vector.broadcast %gt3A_447 : f32 to vector<16xf32>
    %gt3A_449 = arith.cmpf ogt, %gather3A_446, %gt3A_448 : vector<16xf32>
    %div3A_450 = arith.constant 1.100000e+00 : f32
    %div3A_451 = vector.broadcast %div3A_450 : f32 to vector<16xf32>
    %div3A_452 = arith.divf %gather3A_446, %div3A_451 : vector<16xf32>
    %mul3A_453 = arith.constant 1.100000e+00 : f32
    %mul3A_454 = vector.broadcast %mul3A_453 : f32 to vector<16xf32>
    %mul3A_455 = arith.mulf %gather3A_446, %mul3A_454 : vector<16xf32>
    %select_n3A_456 = arith.select %gt3A_449, %div3A_452, %mul3A_455 : vector<16xi1>, vector<16xf32>
    %get3A_457 = arith.constant 208 : index
    %get3A_458 = tpu.vector_load %arg8[%get3A_457] {strides = array<i32>} : memref<256xi32, #tpu.memory_space<vmem>>, vector<16xi32>,
    %gather3A_459 = tpu.vector_load_idx %arg6[%get3A_458] : memref<32000xf32, #tpu.memory_space<vmem>>[vector<16xi32>], vector<16xf32>,
    %gt3A_460 = arith.constant 0.000000e+00 : f32
    %gt3A_461 = vector.broadcast %gt3A_460 : f32 to vector<16xf32>
    %gt3A_462 = arith.cmpf ogt, %gather3A_459, %gt3A_461 : vector<16xf32>
    %div3A_463 = arith.constant 1.100000e+00 : f32
    %div3A_464 = vector.broadcast %div3A_463 : f32 to vector<16xf32>
    %div3A_465 = arith.divf %gather3A_459, %div3A_464 : vector<16xf32>
    %mul3A_466 = arith.constant 1.100000e+00 : f32
    %mul3A_467 = vector.broadcast %mul3A_466 : f32 to vector<16xf32>
    %mul3A_468 = arith.mulf %gather3A_459, %mul3A_467 : vector<16xf32>
    %select_n3A_469 = arith.select %gt3A_462, %div3A_465, %mul3A_468 : vector<16xi1>, vector<16xf32>
    %get3A_470 = arith.constant 224 : index
    %get3A_471 = tpu.vector_load %arg8[%get3A_470] {strides = array<i32>} : memref<256xi32, #tpu.memory_space<vmem>>, vector<16xi32>,
    %gather3A_472 = tpu.vector_load_idx %arg6[%get3A_471] : memref<32000xf32, #tpu.memory_space<vmem>>[vector<16xi32>], vector<16xf32>,
    %gt3A_473 = arith.constant 0.000000e+00 : f32
    %gt3A_474 = vector.broadcast %gt3A_473 : f32 to vector<16xf32>
    %gt3A_475 = arith.cmpf ogt, %gather3A_472, %gt3A_474 : vector<16xf32>
    %div3A_476 = arith.constant 1.100000e+00 : f32
    %div3A_477 = vector.broadcast %div3A_476 : f32 to vector<16xf32>
    %div3A_478 = arith.divf %gather3A_472, %div3A_477 : vector<16xf32>
    %mul3A_479 = arith.constant 1.100000e+00 : f32
    %mul3A_480 = vector.broadcast %mul3A_479 : f32 to vector<16xf32>
    %mul3A_481 = arith.mulf %gather3A_472, %mul3A_480 : vector<16xf32>
    %select_n3A_482 = arith.select %gt3A_475, %div3A_478, %mul3A_481 : vector<16xi1>, vector<16xf32>
    %get3A_483 = arith.constant 240 : index
    %get3A_484 = tpu.vector_load %arg8[%get3A_483] {strides = array<i32>} : memref<256xi32, #tpu.memory_space<vmem>>, vector<16xi32>,
    %gather3A_485 = tpu.vector_load_idx %arg6[%get3A_484] : memref<32000xf32, #tpu.memory_space<vmem>>[vector<16xi32>], vector<16xf32>,
    %gt3A_486 = arith.constant 0.000000e+00 : f32
    %gt3A_487 = vector.broadcast %gt3A_486 : f32 to vector<16xf32>
    %gt3A_488 = arith.cmpf ogt, %gather3A_485, %gt3A_487 : vector<16xf32>
    %div3A_489 = arith.constant 1.100000e+00 : f32
    %div3A_490 = vector.broadcast %div3A_489 : f32 to vector<16xf32>
    %div3A_491 = arith.divf %gather3A_485, %div3A_490 : vector<16xf32>
    %mul3A_492 = arith.constant 1.100000e+00 : f32
    %mul3A_493 = vector.broadcast %mul3A_492 : f32 to vector<16xf32>
    %mul3A_494 = arith.mulf %gather3A_485, %mul3A_493 : vector<16xf32>
    %select_n3A_495 = arith.select %gt3A_488, %div3A_491, %mul3A_494 : vector<16xi1>, vector<16xf32>
    tpu.vector_store_idx %arg6[%get3A_289], %select_n3A_300 : memref<32000xf32, #tpu.memory_space<vmem>>[vector<16xi32>], vector<16xf32>,
    tpu.vector_store_idx %arg6[%get3A_302], %select_n3A_313 : memref<32000xf32, #tpu.memory_space<vmem>>[vector<16xi32>], vector<16xf32>,
    tpu.vector_store_idx %arg6[%get3A_315], %select_n3A_326 : memref<32000xf32, #tpu.memory_space<vmem>>[vector<16xi32>], vector<16xf32>,
    tpu.vector_store_idx %arg6[%get3A_328], %select_n3A_339 : memref<32000xf32, #tpu.memory_space<vmem>>[vector<16xi32>], vector<16xf32>,
    tpu.vector_store_idx %arg6[%get3A_341], %select_n3A_352 : memref<32000xf32, #tpu.memory_space<vmem>>[vector<16xi32>], vector<16xf32>,
    tpu.vector_store_idx %arg6[%get3A_354], %select_n3A_365 : memref<32000xf32, #tpu.memory_space<vmem>>[vector<16xi32>], vector<16xf32>,
    tpu.vector_store_idx %arg6[%get3A_367], %select_n3A_378 : memref<32000xf32, #tpu.memory_space<vmem>>[vector<16xi32>], vector<16xf32>,
    tpu.vector_store_idx %arg6[%get3A_380], %select_n3A_391 : memref<32000xf32, #tpu.memory_space<vmem>>[vector<16xi32>], vector<16xf32>,
    tpu.vector_store_idx %arg6[%get3A_393], %select_n3A_404 : memref<32000xf32, #tpu.memory_space<vmem>>[vector<16xi32>], vector<16xf32>,
    tpu.vector_store_idx %arg6[%get3A_406], %select_n3A_417 : memref<32000xf32, #tpu.memory_space<vmem>>[vector<16xi32>], vector<16xf32>,
    tpu.vector_store_idx %arg6[%get3A_419], %select_n3A_430 : memref<32000xf32, #tpu.memory_space<vmem>>[vector<16xi32>], vector<16xf32>,
    tpu.vector_store_idx %arg6[%get3A_432], %select_n3A_443 : memref<32000xf32, #tpu.memory_space<vmem>>[vector<16xi32>], vector<16xf32>,
    tpu.vector_store_idx %arg6[%get3A_445], %select_n3A_456 : memref<32000xf32, #tpu.memory_space<vmem>>[vector<16xi32>], vector<16xf32>,
    tpu.vector_store_idx %arg6[%get3A_458], %select_n3A_469 : memref<32000xf32, #tpu.memory_space<vmem>>[vector<16xi32>], vector<16xf32>,
    tpu.vector_store_idx %arg6[%get3A_471], %select_n3A_482 : memref<32000xf32, #tpu.memory_space<vmem>>[vector<16xi32>], vector<16xf32>,
    tpu.vector_store_idx %arg6[%get3A_484], %select_n3A_495 : memref<32000xf32, #tpu.memory_space<vmem>>[vector<16xi32>], vector<16xf32>,
    %dma_start3A_496 = arith.constant 0 : i32
    %dma_start3A_497 = tpu.memref_slice %arg4[%add3A_253, %dma_start3A_496] : memref<128x32000xf32, #tpu.memory_space<hbm>> -> memref<1x32000xf32, #tpu.memory_space<hbm>>
    %dma_start3A_498 = tpu.memref_squeeze %dma_start3A_497 : memref<1x32000xf32, #tpu.memory_space<hbm>> -> memref<32000xf32, #tpu.memory_space<hbm>>
    %dma_start3A_499 = arith.constant 0 : i32
    %dma_start3A_500 = tpu.memref_slice %arg4[%add3A_253, %dma_start3A_499] : memref<128x32000xf32, #tpu.memory_space<hbm>> -> memref<1x32000xf32, #tpu.memory_space<hbm>>
    %dma_start3A_501 = tpu.memref_squeeze %dma_start3A_500 : memref<1x32000xf32, #tpu.memory_space<hbm>> -> memref<32000xf32, #tpu.memory_space<hbm>>
    tpu.enqueue_dma source(%arg6 : memref<32000xf32, #tpu.memory_space<vmem>>) target(%dma_start3A_501 : memref<32000xf32, #tpu.memory_space<hbm>>) target_semaphore(%arg14 : memref<!tpu.dma_semaphore, #tpu.memory_space<semaphore_mem>>)
    %add3A_502 = arith.constant 2 : i32
    %add3A_503 = arith.addi %mul3A_2, %add3A_502 : i32
    %dma_wait3A_504 = arith.constant 0 : i32
    %dma_wait3A_505 = tpu.memref_slice %arg2[%add3A_273, %dma_wait3A_504] : memref<128x32000xf32, #tpu.memory_space<hbm>> -> memref<1x32000xf32, #tpu.memory_space<hbm>>
    %dma_wait3A_506 = tpu.memref_squeeze %dma_wait3A_505 : memref<1x32000xf32, #tpu.memory_space<hbm>> -> memref<32000xf32, #tpu.memory_space<hbm>>
    %dma_wait3A_507 = arith.constant 0 : i32
    %dma_wait3A_508 = tpu.memref_slice %arg2[%add3A_273, %dma_wait3A_507] : memref<128x32000xf32, #tpu.memory_space<hbm>> -> memref<1x32000xf32, #tpu.memory_space<hbm>>
    %dma_wait3A_509 = tpu.memref_squeeze %dma_wait3A_508 : memref<1x32000xf32, #tpu.memory_space<hbm>> -> memref<32000xf32, #tpu.memory_space<hbm>>
    tpu.wait_dma2 semaphore(%arg9 : memref<!tpu.dma_semaphore, #tpu.memory_space<semaphore_mem>>) src(%dma_wait3A_509 : memref<32000xf32, #tpu.memory_space<hbm>>) dst(%arg5 : memref<32000xf32, #tpu.memory_space<vmem>>)
    %dma_wait3A_510 = arith.constant 0 : i32
    %dma_wait3A_511 = tpu.memref_slice %arg3[%add3A_281, %dma_wait3A_510] : memref<128x256xi32, #tpu.memory_space<hbm>> -> memref<1x256xi32, #tpu.memory_space<hbm>>
    %dma_wait3A_512 = tpu.memref_squeeze %dma_wait3A_511 : memref<1x256xi32, #tpu.memory_space<hbm>> -> memref<256xi32, #tpu.memory_space<hbm>>
    %dma_wait3A_513 = arith.constant 0 : i32
    %dma_wait3A_514 = tpu.memref_slice %arg3[%add3A_281, %dma_wait3A_513] : memref<128x256xi32, #tpu.memory_space<hbm>> -> memref<1x256xi32, #tpu.memory_space<hbm>>
    %dma_wait3A_515 = tpu.memref_squeeze %dma_wait3A_514 : memref<1x256xi32, #tpu.memory_space<hbm>> -> memref<256xi32, #tpu.memory_space<hbm>>
    tpu.wait_dma2 semaphore(%arg11 : memref<!tpu.dma_semaphore, #tpu.memory_space<semaphore_mem>>) src(%dma_wait3A_515 : memref<256xi32, #tpu.memory_space<hbm>>) dst(%arg7 : memref<256xi32, #tpu.memory_space<vmem>>)
    %dma_wait3A_516 = arith.constant 0 : i32
    %dma_wait3A_517 = tpu.memref_slice %arg4[%add3A_253, %dma_wait3A_516] : memref<128x32000xf32, #tpu.memory_space<hbm>> -> memref<1x32000xf32, #tpu.memory_space<hbm>>
    %dma_wait3A_518 = tpu.memref_squeeze %dma_wait3A_517 : memref<1x32000xf32, #tpu.memory_space<hbm>> -> memref<32000xf32, #tpu.memory_space<hbm>>
    %dma_wait3A_519 = arith.constant 0 : i32
    %dma_wait3A_520 = tpu.memref_slice %arg4[%add3A_253, %dma_wait3A_519] : memref<128x32000xf32, #tpu.memory_space<hbm>> -> memref<1x32000xf32, #tpu.memory_space<hbm>>
    %dma_wait3A_521 = tpu.memref_squeeze %dma_wait3A_520 : memref<1x32000xf32, #tpu.memory_space<hbm>> -> memref<32000xf32, #tpu.memory_space<hbm>>
    tpu.wait_dma2 semaphore(%arg14 : memref<!tpu.dma_semaphore, #tpu.memory_space<semaphore_mem>>) src(%arg6 : memref<32000xf32, #tpu.memory_space<vmem>>) dst(%dma_wait3A_521 : memref<32000xf32, #tpu.memory_space<hbm>>)
    %add3A_522 = arith.constant 1 : i32
    %add3A_523 = arith.addi %add3A_503, %add3A_522 : i32
    %dma_start3A_524 = arith.constant 0 : i32
    %dma_start3A_525 = tpu.memref_slice %arg2[%add3A_523, %dma_start3A_524] : memref<128x32000xf32, #tpu.memory_space<hbm>> -> memref<1x32000xf32, #tpu.memory_space<hbm>>
    %dma_start3A_526 = tpu.memref_squeeze %dma_start3A_525 : memref<1x32000xf32, #tpu.memory_space<hbm>> -> memref<32000xf32, #tpu.memory_space<hbm>>
    %dma_start3A_527 = arith.constant 0 : i32
    %dma_start3A_528 = tpu.memref_slice %arg2[%add3A_523, %dma_start3A_527] : memref<128x32000xf32, #tpu.memory_space<hbm>> -> memref<1x32000xf32, #tpu.memory_space<hbm>>
    %dma_start3A_529 = tpu.memref_squeeze %dma_start3A_528 : memref<1x32000xf32, #tpu.memory_space<hbm>> -> memref<32000xf32, #tpu.memory_space<hbm>>
    tpu.enqueue_dma source(%dma_start3A_529 : memref<32000xf32, #tpu.memory_space<hbm>>) target(%arg6 : memref<32000xf32, #tpu.memory_space<vmem>>) target_semaphore(%arg10 : memref<!tpu.dma_semaphore, #tpu.memory_space<semaphore_mem>>)
    %add3A_530 = arith.constant 1 : i32
    %add3A_531 = arith.addi %add3A_503, %add3A_530 : i32
    %dma_start3A_532 = arith.constant 0 : i32
    %dma_start3A_533 = tpu.memref_slice %arg3[%add3A_531, %dma_start3A_532] : memref<128x256xi32, #tpu.memory_space<hbm>> -> memref<1x256xi32, #tpu.memory_space<hbm>>
    %dma_start3A_534 = tpu.memref_squeeze %dma_start3A_533 : memref<1x256xi32, #tpu.memory_space<hbm>> -> memref<256xi32, #tpu.memory_space<hbm>>
    %dma_start3A_535 = arith.constant 0 : i32
    %dma_start3A_536 = tpu.memref_slice %arg3[%add3A_531, %dma_start3A_535] : memref<128x256xi32, #tpu.memory_space<hbm>> -> memref<1x256xi32, #tpu.memory_space<hbm>>
    %dma_start3A_537 = tpu.memref_squeeze %dma_start3A_536 : memref<1x256xi32, #tpu.memory_space<hbm>> -> memref<256xi32, #tpu.memory_space<hbm>>
    tpu.enqueue_dma source(%dma_start3A_537 : memref<256xi32, #tpu.memory_space<hbm>>) target(%arg8 : memref<256xi32, #tpu.memory_space<vmem>>) target_semaphore(%arg12 : memref<!tpu.dma_semaphore, #tpu.memory_space<semaphore_mem>>)
    %get3A_538 = arith.constant 0 : index
    %get3A_539 = tpu.vector_load %arg7[%get3A_538] {strides = array<i32>} : memref<256xi32, #tpu.memory_space<vmem>>, vector<16xi32>,
    %gather3A_540 = tpu.vector_load_idx %arg5[%get3A_539] : memref<32000xf32, #tpu.memory_space<vmem>>[vector<16xi32>], vector<16xf32>,
    %gt3A_541 = arith.constant 0.000000e+00 : f32
    %gt3A_542 = vector.broadcast %gt3A_541 : f32 to vector<16xf32>
    %gt3A_543 = arith.cmpf ogt, %gather3A_540, %gt3A_542 : vector<16xf32>
    %div3A_544 = arith.constant 1.100000e+00 : f32
    %div3A_545 = vector.broadcast %div3A_544 : f32 to vector<16xf32>
    %div3A_546 = arith.divf %gather3A_540, %div3A_545 : vector<16xf32>
    %mul3A_547 = arith.constant 1.100000e+00 : f32
    %mul3A_548 = vector.broadcast %mul3A_547 : f32 to vector<16xf32>
    %mul3A_549 = arith.mulf %gather3A_540, %mul3A_548 : vector<16xf32>
    %select_n3A_550 = arith.select %gt3A_543, %div3A_546, %mul3A_549 : vector<16xi1>, vector<16xf32>
    %get3A_551 = arith.constant 16 : index
    %get3A_552 = tpu.vector_load %arg7[%get3A_551] {strides = array<i32>} : memref<256xi32, #tpu.memory_space<vmem>>, vector<16xi32>,
    %gather3A_553 = tpu.vector_load_idx %arg5[%get3A_552] : memref<32000xf32, #tpu.memory_space<vmem>>[vector<16xi32>], vector<16xf32>,
    %gt3A_554 = arith.constant 0.000000e+00 : f32
    %gt3A_555 = vector.broadcast %gt3A_554 : f32 to vector<16xf32>
    %gt3A_556 = arith.cmpf ogt, %gather3A_553, %gt3A_555 : vector<16xf32>
    %div3A_557 = arith.constant 1.100000e+00 : f32
    %div3A_558 = vector.broadcast %div3A_557 : f32 to vector<16xf32>
    %div3A_559 = arith.divf %gather3A_553, %div3A_558 : vector<16xf32>
    %mul3A_560 = arith.constant 1.100000e+00 : f32
    %mul3A_561 = vector.broadcast %mul3A_560 : f32 to vector<16xf32>
    %mul3A_562 = arith.mulf %gather3A_553, %mul3A_561 : vector<16xf32>
    %select_n3A_563 = arith.select %gt3A_556, %div3A_559, %mul3A_562 : vector<16xi1>, vector<16xf32>
    %get3A_564 = arith.constant 32 : index
    %get3A_565 = tpu.vector_load %arg7[%get3A_564] {strides = array<i32>} : memref<256xi32, #tpu.memory_space<vmem>>, vector<16xi32>,
    %gather3A_566 = tpu.vector_load_idx %arg5[%get3A_565] : memref<32000xf32, #tpu.memory_space<vmem>>[vector<16xi32>], vector<16xf32>,
    %gt3A_567 = arith.constant 0.000000e+00 : f32
    %gt3A_568 = vector.broadcast %gt3A_567 : f32 to vector<16xf32>
    %gt3A_569 = arith.cmpf ogt, %gather3A_566, %gt3A_568 : vector<16xf32>
    %div3A_570 = arith.constant 1.100000e+00 : f32
    %div3A_571 = vector.broadcast %div3A_570 : f32 to vector<16xf32>
    %div3A_572 = arith.divf %gather3A_566, %div3A_571 : vector<16xf32>
    %mul3A_573 = arith.constant 1.100000e+00 : f32
    %mul3A_574 = vector.broadcast %mul3A_573 : f32 to vector<16xf32>
    %mul3A_575 = arith.mulf %gather3A_566, %mul3A_574 : vector<16xf32>
    %select_n3A_576 = arith.select %gt3A_569, %div3A_572, %mul3A_575 : vector<16xi1>, vector<16xf32>
    %get3A_577 = arith.constant 48 : index
    %get3A_578 = tpu.vector_load %arg7[%get3A_577] {strides = array<i32>} : memref<256xi32, #tpu.memory_space<vmem>>, vector<16xi32>,
    %gather3A_579 = tpu.vector_load_idx %arg5[%get3A_578] : memref<32000xf32, #tpu.memory_space<vmem>>[vector<16xi32>], vector<16xf32>,
    %gt3A_580 = arith.constant 0.000000e+00 : f32
    %gt3A_581 = vector.broadcast %gt3A_580 : f32 to vector<16xf32>
    %gt3A_582 = arith.cmpf ogt, %gather3A_579, %gt3A_581 : vector<16xf32>
    %div3A_583 = arith.constant 1.100000e+00 : f32
    %div3A_584 = vector.broadcast %div3A_583 : f32 to vector<16xf32>
    %div3A_585 = arith.divf %gather3A_579, %div3A_584 : vector<16xf32>
    %mul3A_586 = arith.constant 1.100000e+00 : f32
    %mul3A_587 = vector.broadcast %mul3A_586 : f32 to vector<16xf32>
    %mul3A_588 = arith.mulf %gather3A_579, %mul3A_587 : vector<16xf32>
    %select_n3A_589 = arith.select %gt3A_582, %div3A_585, %mul3A_588 : vector<16xi1>, vector<16xf32>
    %get3A_590 = arith.constant 64 : index
    %get3A_591 = tpu.vector_load %arg7[%get3A_590] {strides = array<i32>} : memref<256xi32, #tpu.memory_space<vmem>>, vector<16xi32>,
    %gather3A_592 = tpu.vector_load_idx %arg5[%get3A_591] : memref<32000xf32, #tpu.memory_space<vmem>>[vector<16xi32>], vector<16xf32>,
    %gt3A_593 = arith.constant 0.000000e+00 : f32
    %gt3A_594 = vector.broadcast %gt3A_593 : f32 to vector<16xf32>
    %gt3A_595 = arith.cmpf ogt, %gather3A_592, %gt3A_594 : vector<16xf32>
    %div3A_596 = arith.constant 1.100000e+00 : f32
    %div3A_597 = vector.broadcast %div3A_596 : f32 to vector<16xf32>
    %div3A_598 = arith.divf %gather3A_592, %div3A_597 : vector<16xf32>
    %mul3A_599 = arith.constant 1.100000e+00 : f32
    %mul3A_600 = vector.broadcast %mul3A_599 : f32 to vector<16xf32>
    %mul3A_601 = arith.mulf %gather3A_592, %mul3A_600 : vector<16xf32>
    %select_n3A_602 = arith.select %gt3A_595, %div3A_598, %mul3A_601 : vector<16xi1>, vector<16xf32>
    %get3A_603 = arith.constant 80 : index
    %get3A_604 = tpu.vector_load %arg7[%get3A_603] {strides = array<i32>} : memref<256xi32, #tpu.memory_space<vmem>>, vector<16xi32>,
    %gather3A_605 = tpu.vector_load_idx %arg5[%get3A_604] : memref<32000xf32, #tpu.memory_space<vmem>>[vector<16xi32>], vector<16xf32>,
    %gt3A_606 = arith.constant 0.000000e+00 : f32
    %gt3A_607 = vector.broadcast %gt3A_606 : f32 to vector<16xf32>
    %gt3A_608 = arith.cmpf ogt, %gather3A_605, %gt3A_607 : vector<16xf32>
    %div3A_609 = arith.constant 1.100000e+00 : f32
    %div3A_610 = vector.broadcast %div3A_609 : f32 to vector<16xf32>
    %div3A_611 = arith.divf %gather3A_605, %div3A_610 : vector<16xf32>
    %mul3A_612 = arith.constant 1.100000e+00 : f32
    %mul3A_613 = vector.broadcast %mul3A_612 : f32 to vector<16xf32>
    %mul3A_614 = arith.mulf %gather3A_605, %mul3A_613 : vector<16xf32>
    %select_n3A_615 = arith.select %gt3A_608, %div3A_611, %mul3A_614 : vector<16xi1>, vector<16xf32>
    %get3A_616 = arith.constant 96 : index
    %get3A_617 = tpu.vector_load %arg7[%get3A_616] {strides = array<i32>} : memref<256xi32, #tpu.memory_space<vmem>>, vector<16xi32>,
    %gather3A_618 = tpu.vector_load_idx %arg5[%get3A_617] : memref<32000xf32, #tpu.memory_space<vmem>>[vector<16xi32>], vector<16xf32>,
    %gt3A_619 = arith.constant 0.000000e+00 : f32
    %gt3A_620 = vector.broadcast %gt3A_619 : f32 to vector<16xf32>
    %gt3A_621 = arith.cmpf ogt, %gather3A_618, %gt3A_620 : vector<16xf32>
    %div3A_622 = arith.constant 1.100000e+00 : f32
    %div3A_623 = vector.broadcast %div3A_622 : f32 to vector<16xf32>
    %div3A_624 = arith.divf %gather3A_618, %div3A_623 : vector<16xf32>
    %mul3A_625 = arith.constant 1.100000e+00 : f32
    %mul3A_626 = vector.broadcast %mul3A_625 : f32 to vector<16xf32>
    %mul3A_627 = arith.mulf %gather3A_618, %mul3A_626 : vector<16xf32>
    %select_n3A_628 = arith.select %gt3A_621, %div3A_624, %mul3A_627 : vector<16xi1>, vector<16xf32>
    %get3A_629 = arith.constant 112 : index
    %get3A_630 = tpu.vector_load %arg7[%get3A_629] {strides = array<i32>} : memref<256xi32, #tpu.memory_space<vmem>>, vector<16xi32>,
    %gather3A_631 = tpu.vector_load_idx %arg5[%get3A_630] : memref<32000xf32, #tpu.memory_space<vmem>>[vector<16xi32>], vector<16xf32>,
    %gt3A_632 = arith.constant 0.000000e+00 : f32
    %gt3A_633 = vector.broadcast %gt3A_632 : f32 to vector<16xf32>
    %gt3A_634 = arith.cmpf ogt, %gather3A_631, %gt3A_633 : vector<16xf32>
    %div3A_635 = arith.constant 1.100000e+00 : f32
    %div3A_636 = vector.broadcast %div3A_635 : f32 to vector<16xf32>
    %div3A_637 = arith.divf %gather3A_631, %div3A_636 : vector<16xf32>
    %mul3A_638 = arith.constant 1.100000e+00 : f32
    %mul3A_639 = vector.broadcast %mul3A_638 : f32 to vector<16xf32>
    %mul3A_640 = arith.mulf %gather3A_631, %mul3A_639 : vector<16xf32>
    %select_n3A_641 = arith.select %gt3A_634, %div3A_637, %mul3A_640 : vector<16xi1>, vector<16xf32>
    %get3A_642 = arith.constant 128 : index
    %get3A_643 = tpu.vector_load %arg7[%get3A_642] {strides = array<i32>} : memref<256xi32, #tpu.memory_space<vmem>>, vector<16xi32>,
    %gather3A_644 = tpu.vector_load_idx %arg5[%get3A_643] : memref<32000xf32, #tpu.memory_space<vmem>>[vector<16xi32>], vector<16xf32>,
    %gt3A_645 = arith.constant 0.000000e+00 : f32
    %gt3A_646 = vector.broadcast %gt3A_645 : f32 to vector<16xf32>
    %gt3A_647 = arith.cmpf ogt, %gather3A_644, %gt3A_646 : vector<16xf32>
    %div3A_648 = arith.constant 1.100000e+00 : f32
    %div3A_649 = vector.broadcast %div3A_648 : f32 to vector<16xf32>
    %div3A_650 = arith.divf %gather3A_644, %div3A_649 : vector<16xf32>
    %mul3A_651 = arith.constant 1.100000e+00 : f32
    %mul3A_652 = vector.broadcast %mul3A_651 : f32 to vector<16xf32>
    %mul3A_653 = arith.mulf %gather3A_644, %mul3A_652 : vector<16xf32>
    %select_n3A_654 = arith.select %gt3A_647, %div3A_650, %mul3A_653 : vector<16xi1>, vector<16xf32>
    %get3A_655 = arith.constant 144 : index
    %get3A_656 = tpu.vector_load %arg7[%get3A_655] {strides = array<i32>} : memref<256xi32, #tpu.memory_space<vmem>>, vector<16xi32>,
    %gather3A_657 = tpu.vector_load_idx %arg5[%get3A_656] : memref<32000xf32, #tpu.memory_space<vmem>>[vector<16xi32>], vector<16xf32>,
    %gt3A_658 = arith.constant 0.000000e+00 : f32
    %gt3A_659 = vector.broadcast %gt3A_658 : f32 to vector<16xf32>
    %gt3A_660 = arith.cmpf ogt, %gather3A_657, %gt3A_659 : vector<16xf32>
    %div3A_661 = arith.constant 1.100000e+00 : f32
    %div3A_662 = vector.broadcast %div3A_661 : f32 to vector<16xf32>
    %div3A_663 = arith.divf %gather3A_657, %div3A_662 : vector<16xf32>
    %mul3A_664 = arith.constant 1.100000e+00 : f32
    %mul3A_665 = vector.broadcast %mul3A_664 : f32 to vector<16xf32>
    %mul3A_666 = arith.mulf %gather3A_657, %mul3A_665 : vector<16xf32>
    %select_n3A_667 = arith.select %gt3A_660, %div3A_663, %mul3A_666 : vector<16xi1>, vector<16xf32>
    %get3A_668 = arith.constant 160 : index
    %get3A_669 = tpu.vector_load %arg7[%get3A_668] {strides = array<i32>} : memref<256xi32, #tpu.memory_space<vmem>>, vector<16xi32>,
    %gather3A_670 = tpu.vector_load_idx %arg5[%get3A_669] : memref<32000xf32, #tpu.memory_space<vmem>>[vector<16xi32>], vector<16xf32>,
    %gt3A_671 = arith.constant 0.000000e+00 : f32
    %gt3A_672 = vector.broadcast %gt3A_671 : f32 to vector<16xf32>
    %gt3A_673 = arith.cmpf ogt, %gather3A_670, %gt3A_672 : vector<16xf32>
    %div3A_674 = arith.constant 1.100000e+00 : f32
    %div3A_675 = vector.broadcast %div3A_674 : f32 to vector<16xf32>
    %div3A_676 = arith.divf %gather3A_670, %div3A_675 : vector<16xf32>
    %mul3A_677 = arith.constant 1.100000e+00 : f32
    %mul3A_678 = vector.broadcast %mul3A_677 : f32 to vector<16xf32>
    %mul3A_679 = arith.mulf %gather3A_670, %mul3A_678 : vector<16xf32>
    %select_n3A_680 = arith.select %gt3A_673, %div3A_676, %mul3A_679 : vector<16xi1>, vector<16xf32>
    %get3A_681 = arith.constant 176 : index
    %get3A_682 = tpu.vector_load %arg7[%get3A_681] {strides = array<i32>} : memref<256xi32, #tpu.memory_space<vmem>>, vector<16xi32>,
    %gather3A_683 = tpu.vector_load_idx %arg5[%get3A_682] : memref<32000xf32, #tpu.memory_space<vmem>>[vector<16xi32>], vector<16xf32>,
    %gt3A_684 = arith.constant 0.000000e+00 : f32
    %gt3A_685 = vector.broadcast %gt3A_684 : f32 to vector<16xf32>
    %gt3A_686 = arith.cmpf ogt, %gather3A_683, %gt3A_685 : vector<16xf32>
    %div3A_687 = arith.constant 1.100000e+00 : f32
    %div3A_688 = vector.broadcast %div3A_687 : f32 to vector<16xf32>
    %div3A_689 = arith.divf %gather3A_683, %div3A_688 : vector<16xf32>
    %mul3A_690 = arith.constant 1.100000e+00 : f32
    %mul3A_691 = vector.broadcast %mul3A_690 : f32 to vector<16xf32>
    %mul3A_692 = arith.mulf %gather3A_683, %mul3A_691 : vector<16xf32>
    %select_n3A_693 = arith.select %gt3A_686, %div3A_689, %mul3A_692 : vector<16xi1>, vector<16xf32>
    %get3A_694 = arith.constant 192 : index
    %get3A_695 = tpu.vector_load %arg7[%get3A_694] {strides = array<i32>} : memref<256xi32, #tpu.memory_space<vmem>>, vector<16xi32>,
    %gather3A_696 = tpu.vector_load_idx %arg5[%get3A_695] : memref<32000xf32, #tpu.memory_space<vmem>>[vector<16xi32>], vector<16xf32>,
    %gt3A_697 = arith.constant 0.000000e+00 : f32
    %gt3A_698 = vector.broadcast %gt3A_697 : f32 to vector<16xf32>
    %gt3A_699 = arith.cmpf ogt, %gather3A_696, %gt3A_698 : vector<16xf32>
    %div3A_700 = arith.constant 1.100000e+00 : f32
    %div3A_701 = vector.broadcast %div3A_700 : f32 to vector<16xf32>
    %div3A_702 = arith.divf %gather3A_696, %div3A_701 : vector<16xf32>
    %mul3A_703 = arith.constant 1.100000e+00 : f32
    %mul3A_704 = vector.broadcast %mul3A_703 : f32 to vector<16xf32>
    %mul3A_705 = arith.mulf %gather3A_696, %mul3A_704 : vector<16xf32>
    %select_n3A_706 = arith.select %gt3A_699, %div3A_702, %mul3A_705 : vector<16xi1>, vector<16xf32>
    %get3A_707 = arith.constant 208 : index
    %get3A_708 = tpu.vector_load %arg7[%get3A_707] {strides = array<i32>} : memref<256xi32, #tpu.memory_space<vmem>>, vector<16xi32>,
    %gather3A_709 = tpu.vector_load_idx %arg5[%get3A_708] : memref<32000xf32, #tpu.memory_space<vmem>>[vector<16xi32>], vector<16xf32>,
    %gt3A_710 = arith.constant 0.000000e+00 : f32
    %gt3A_711 = vector.broadcast %gt3A_710 : f32 to vector<16xf32>
    %gt3A_712 = arith.cmpf ogt, %gather3A_709, %gt3A_711 : vector<16xf32>
    %div3A_713 = arith.constant 1.100000e+00 : f32
    %div3A_714 = vector.broadcast %div3A_713 : f32 to vector<16xf32>
    %div3A_715 = arith.divf %gather3A_709, %div3A_714 : vector<16xf32>
    %mul3A_716 = arith.constant 1.100000e+00 : f32
    %mul3A_717 = vector.broadcast %mul3A_716 : f32 to vector<16xf32>
    %mul3A_718 = arith.mulf %gather3A_709, %mul3A_717 : vector<16xf32>
    %select_n3A_719 = arith.select %gt3A_712, %div3A_715, %mul3A_718 : vector<16xi1>, vector<16xf32>
    %get3A_720 = arith.constant 224 : index
    %get3A_721 = tpu.vector_load %arg7[%get3A_720] {strides = array<i32>} : memref<256xi32, #tpu.memory_space<vmem>>, vector<16xi32>,
    %gather3A_722 = tpu.vector_load_idx %arg5[%get3A_721] : memref<32000xf32, #tpu.memory_space<vmem>>[vector<16xi32>], vector<16xf32>,
    %gt3A_723 = arith.constant 0.000000e+00 : f32
    %gt3A_724 = vector.broadcast %gt3A_723 : f32 to vector<16xf32>
    %gt3A_725 = arith.cmpf ogt, %gather3A_722, %gt3A_724 : vector<16xf32>
    %div3A_726 = arith.constant 1.100000e+00 : f32
    %div3A_727 = vector.broadcast %div3A_726 : f32 to vector<16xf32>
    %div3A_728 = arith.divf %gather3A_722, %div3A_727 : vector<16xf32>
    %mul3A_729 = arith.constant 1.100000e+00 : f32
    %mul3A_730 = vector.broadcast %mul3A_729 : f32 to vector<16xf32>
    %mul3A_731 = arith.mulf %gather3A_722, %mul3A_730 : vector<16xf32>
    %select_n3A_732 = arith.select %gt3A_725, %div3A_728, %mul3A_731 : vector<16xi1>, vector<16xf32>
    %get3A_733 = arith.constant 240 : index
    %get3A_734 = tpu.vector_load %arg7[%get3A_733] {strides = array<i32>} : memref<256xi32, #tpu.memory_space<vmem>>, vector<16xi32>,
    %gather3A_735 = tpu.vector_load_idx %arg5[%get3A_734] : memref<32000xf32, #tpu.memory_space<vmem>>[vector<16xi32>], vector<16xf32>,
    %gt3A_736 = arith.constant 0.000000e+00 : f32
    %gt3A_737 = vector.broadcast %gt3A_736 : f32 to vector<16xf32>
    %gt3A_738 = arith.cmpf ogt, %gather3A_735, %gt3A_737 : vector<16xf32>
    %div3A_739 = arith.constant 1.100000e+00 : f32
    %div3A_740 = vector.broadcast %div3A_739 : f32 to vector<16xf32>
    %div3A_741 = arith.divf %gather3A_735, %div3A_740 : vector<16xf32>
    %mul3A_742 = arith.constant 1.100000e+00 : f32
    %mul3A_743 = vector.broadcast %mul3A_742 : f32 to vector<16xf32>
    %mul3A_744 = arith.mulf %gather3A_735, %mul3A_743 : vector<16xf32>
    %select_n3A_745 = arith.select %gt3A_738, %div3A_741, %mul3A_744 : vector<16xi1>, vector<16xf32>
    tpu.vector_store_idx %arg5[%get3A_539], %select_n3A_550 : memref<32000xf32, #tpu.memory_space<vmem>>[vector<16xi32>], vector<16xf32>,
    tpu.vector_store_idx %arg5[%get3A_552], %select_n3A_563 : memref<32000xf32, #tpu.memory_space<vmem>>[vector<16xi32>], vector<16xf32>,
    tpu.vector_store_idx %arg5[%get3A_565], %select_n3A_576 : memref<32000xf32, #tpu.memory_space<vmem>>[vector<16xi32>], vector<16xf32>,
    tpu.vector_store_idx %arg5[%get3A_578], %select_n3A_589 : memref<32000xf32, #tpu.memory_space<vmem>>[vector<16xi32>], vector<16xf32>,
    tpu.vector_store_idx %arg5[%get3A_591], %select_n3A_602 : memref<32000xf32, #tpu.memory_space<vmem>>[vector<16xi32>], vector<16xf32>,
    tpu.vector_store_idx %arg5[%get3A_604], %select_n3A_615 : memref<32000xf32, #tpu.memory_space<vmem>>[vector<16xi32>], vector<16xf32>,
    tpu.vector_store_idx %arg5[%get3A_617], %select_n3A_628 : memref<32000xf32, #tpu.memory_space<vmem>>[vector<16xi32>], vector<16xf32>,
    tpu.vector_store_idx %arg5[%get3A_630], %select_n3A_641 : memref<32000xf32, #tpu.memory_space<vmem>>[vector<16xi32>], vector<16xf32>,
    tpu.vector_store_idx %arg5[%get3A_643], %select_n3A_654 : memref<32000xf32, #tpu.memory_space<vmem>>[vector<16xi32>], vector<16xf32>,
    tpu.vector_store_idx %arg5[%get3A_656], %select_n3A_667 : memref<32000xf32, #tpu.memory_space<vmem>>[vector<16xi32>], vector<16xf32>,
    tpu.vector_store_idx %arg5[%get3A_669], %select_n3A_680 : memref<32000xf32, #tpu.memory_space<vmem>>[vector<16xi32>], vector<16xf32>,
    tpu.vector_store_idx %arg5[%get3A_682], %select_n3A_693 : memref<32000xf32, #tpu.memory_space<vmem>>[vector<16xi32>], vector<16xf32>,
    tpu.vector_store_idx %arg5[%get3A_695], %select_n3A_706 : memref<32000xf32, #tpu.memory_space<vmem>>[vector<16xi32>], vector<16xf32>,
    tpu.vector_store_idx %arg5[%get3A_708], %select_n3A_719 : memref<32000xf32, #tpu.memory_space<vmem>>[vector<16xi32>], vector<16xf32>,
    tpu.vector_store_idx %arg5[%get3A_721], %select_n3A_732 : memref<32000xf32, #tpu.memory_space<vmem>>[vector<16xi32>], vector<16xf32>,
    tpu.vector_store_idx %arg5[%get3A_734], %select_n3A_745 : memref<32000xf32, #tpu.memory_space<vmem>>[vector<16xi32>], vector<16xf32>,
    %dma_start3A_746 = arith.constant 0 : i32
    %dma_start3A_747 = tpu.memref_slice %arg4[%add3A_503, %dma_start3A_746] : memref<128x32000xf32, #tpu.memory_space<hbm>> -> memref<1x32000xf32, #tpu.memory_space<hbm>>
    %dma_start3A_748 = tpu.memref_squeeze %dma_start3A_747 : memref<1x32000xf32, #tpu.memory_space<hbm>> -> memref<32000xf32, #tpu.memory_space<hbm>>
    %dma_start3A_749 = arith.constant 0 : i32
    %dma_start3A_750 = tpu.memref_slice %arg4[%add3A_503, %dma_start3A_749] : memref<128x32000xf32, #tpu.memory_space<hbm>> -> memref<1x32000xf32, #tpu.memory_space<hbm>>
    %dma_start3A_751 = tpu.memref_squeeze %dma_start3A_750 : memref<1x32000xf32, #tpu.memory_space<hbm>> -> memref<32000xf32, #tpu.memory_space<hbm>>
    tpu.enqueue_dma source(%arg5 : memref<32000xf32, #tpu.memory_space<vmem>>) target(%dma_start3A_751 : memref<32000xf32, #tpu.memory_space<hbm>>) target_semaphore(%arg13 : memref<!tpu.dma_semaphore, #tpu.memory_space<semaphore_mem>>)
    %add3A_752 = arith.constant 3 : i32
    %add3A_753 = arith.addi %mul3A_2, %add3A_752 : i32
    %dma_wait3A_754 = arith.constant 0 : i32
    %dma_wait3A_755 = tpu.memref_slice %arg2[%add3A_523, %dma_wait3A_754] : memref<128x32000xf32, #tpu.memory_space<hbm>> -> memref<1x32000xf32, #tpu.memory_space<hbm>>
    %dma_wait3A_756 = tpu.memref_squeeze %dma_wait3A_755 : memref<1x32000xf32, #tpu.memory_space<hbm>> -> memref<32000xf32, #tpu.memory_space<hbm>>
    %dma_wait3A_757 = arith.constant 0 : i32
    %dma_wait3A_758 = tpu.memref_slice %arg2[%add3A_523, %dma_wait3A_757] : memref<128x32000xf32, #tpu.memory_space<hbm>> -> memref<1x32000xf32, #tpu.memory_space<hbm>>
    %dma_wait3A_759 = tpu.memref_squeeze %dma_wait3A_758 : memref<1x32000xf32, #tpu.memory_space<hbm>> -> memref<32000xf32, #tpu.memory_space<hbm>>
    tpu.wait_dma2 semaphore(%arg10 : memref<!tpu.dma_semaphore, #tpu.memory_space<semaphore_mem>>) src(%dma_wait3A_759 : memref<32000xf32, #tpu.memory_space<hbm>>) dst(%arg6 : memref<32000xf32, #tpu.memory_space<vmem>>)
    %dma_wait3A_760 = arith.constant 0 : i32
    %dma_wait3A_761 = tpu.memref_slice %arg3[%add3A_531, %dma_wait3A_760] : memref<128x256xi32, #tpu.memory_space<hbm>> -> memref<1x256xi32, #tpu.memory_space<hbm>>
    %dma_wait3A_762 = tpu.memref_squeeze %dma_wait3A_761 : memref<1x256xi32, #tpu.memory_space<hbm>> -> memref<256xi32, #tpu.memory_space<hbm>>
    %dma_wait3A_763 = arith.constant 0 : i32
    %dma_wait3A_764 = tpu.memref_slice %arg3[%add3A_531, %dma_wait3A_763] : memref<128x256xi32, #tpu.memory_space<hbm>> -> memref<1x256xi32, #tpu.memory_space<hbm>>
    %dma_wait3A_765 = tpu.memref_squeeze %dma_wait3A_764 : memref<1x256xi32, #tpu.memory_space<hbm>> -> memref<256xi32, #tpu.memory_space<hbm>>
    tpu.wait_dma2 semaphore(%arg12 : memref<!tpu.dma_semaphore, #tpu.memory_space<semaphore_mem>>) src(%dma_wait3A_765 : memref<256xi32, #tpu.memory_space<hbm>>) dst(%arg8 : memref<256xi32, #tpu.memory_space<vmem>>)
    %get3A_766 = arith.constant 0 : index
    %get3A_767 = tpu.vector_load %arg8[%get3A_766] {strides = array<i32>} : memref<256xi32, #tpu.memory_space<vmem>>, vector<16xi32>,
    %gather3A_768 = tpu.vector_load_idx %arg6[%get3A_767] : memref<32000xf32, #tpu.memory_space<vmem>>[vector<16xi32>], vector<16xf32>,
    %gt3A_769 = arith.constant 0.000000e+00 : f32
    %gt3A_770 = vector.broadcast %gt3A_769 : f32 to vector<16xf32>
    %gt3A_771 = arith.cmpf ogt, %gather3A_768, %gt3A_770 : vector<16xf32>
    %div3A_772 = arith.constant 1.100000e+00 : f32
    %div3A_773 = vector.broadcast %div3A_772 : f32 to vector<16xf32>
    %div3A_774 = arith.divf %gather3A_768, %div3A_773 : vector<16xf32>
    %mul3A_775 = arith.constant 1.100000e+00 : f32
    %mul3A_776 = vector.broadcast %mul3A_775 : f32 to vector<16xf32>
    %mul3A_777 = arith.mulf %gather3A_768, %mul3A_776 : vector<16xf32>
    %select_n3A_778 = arith.select %gt3A_771, %div3A_774, %mul3A_777 : vector<16xi1>, vector<16xf32>
    %get3A_779 = arith.constant 16 : index
    %get3A_780 = tpu.vector_load %arg8[%get3A_779] {strides = array<i32>} : memref<256xi32, #tpu.memory_space<vmem>>, vector<16xi32>,
    %gather3A_781 = tpu.vector_load_idx %arg6[%get3A_780] : memref<32000xf32, #tpu.memory_space<vmem>>[vector<16xi32>], vector<16xf32>,
    %gt3A_782 = arith.constant 0.000000e+00 : f32
    %gt3A_783 = vector.broadcast %gt3A_782 : f32 to vector<16xf32>
    %gt3A_784 = arith.cmpf ogt, %gather3A_781, %gt3A_783 : vector<16xf32>
    %div3A_785 = arith.constant 1.100000e+00 : f32
    %div3A_786 = vector.broadcast %div3A_785 : f32 to vector<16xf32>
    %div3A_787 = arith.divf %gather3A_781, %div3A_786 : vector<16xf32>
    %mul3A_788 = arith.constant 1.100000e+00 : f32
    %mul3A_789 = vector.broadcast %mul3A_788 : f32 to vector<16xf32>
    %mul3A_790 = arith.mulf %gather3A_781, %mul3A_789 : vector<16xf32>
    %select_n3A_791 = arith.select %gt3A_784, %div3A_787, %mul3A_790 : vector<16xi1>, vector<16xf32>
    %get3A_792 = arith.constant 32 : index
    %get3A_793 = tpu.vector_load %arg8[%get3A_792] {strides = array<i32>} : memref<256xi32, #tpu.memory_space<vmem>>, vector<16xi32>,
    %gather3A_794 = tpu.vector_load_idx %arg6[%get3A_793] : memref<32000xf32, #tpu.memory_space<vmem>>[vector<16xi32>], vector<16xf32>,
    %gt3A_795 = arith.constant 0.000000e+00 : f32
    %gt3A_796 = vector.broadcast %gt3A_795 : f32 to vector<16xf32>
    %gt3A_797 = arith.cmpf ogt, %gather3A_794, %gt3A_796 : vector<16xf32>
    %div3A_798 = arith.constant 1.100000e+00 : f32
    %div3A_799 = vector.broadcast %div3A_798 : f32 to vector<16xf32>
    %div3A_800 = arith.divf %gather3A_794, %div3A_799 : vector<16xf32>
    %mul3A_801 = arith.constant 1.100000e+00 : f32
    %mul3A_802 = vector.broadcast %mul3A_801 : f32 to vector<16xf32>
    %mul3A_803 = arith.mulf %gather3A_794, %mul3A_802 : vector<16xf32>
    %select_n3A_804 = arith.select %gt3A_797, %div3A_800, %mul3A_803 : vector<16xi1>, vector<16xf32>
    %get3A_805 = arith.constant 48 : index
    %get3A_806 = tpu.vector_load %arg8[%get3A_805] {strides = array<i32>} : memref<256xi32, #tpu.memory_space<vmem>>, vector<16xi32>,
    %gather3A_807 = tpu.vector_load_idx %arg6[%get3A_806] : memref<32000xf32, #tpu.memory_space<vmem>>[vector<16xi32>], vector<16xf32>,
    %gt3A_808 = arith.constant 0.000000e+00 : f32
    %gt3A_809 = vector.broadcast %gt3A_808 : f32 to vector<16xf32>
    %gt3A_810 = arith.cmpf ogt, %gather3A_807, %gt3A_809 : vector<16xf32>
    %div3A_811 = arith.constant 1.100000e+00 : f32
    %div3A_812 = vector.broadcast %div3A_811 : f32 to vector<16xf32>
    %div3A_813 = arith.divf %gather3A_807, %div3A_812 : vector<16xf32>
    %mul3A_814 = arith.constant 1.100000e+00 : f32
    %mul3A_815 = vector.broadcast %mul3A_814 : f32 to vector<16xf32>
    %mul3A_816 = arith.mulf %gather3A_807, %mul3A_815 : vector<16xf32>
    %select_n3A_817 = arith.select %gt3A_810, %div3A_813, %mul3A_816 : vector<16xi1>, vector<16xf32>
    %get3A_818 = arith.constant 64 : index
    %get3A_819 = tpu.vector_load %arg8[%get3A_818] {strides = array<i32>} : memref<256xi32, #tpu.memory_space<vmem>>, vector<16xi32>,
    %gather3A_820 = tpu.vector_load_idx %arg6[%get3A_819] : memref<32000xf32, #tpu.memory_space<vmem>>[vector<16xi32>], vector<16xf32>,
    %gt3A_821 = arith.constant 0.000000e+00 : f32
    %gt3A_822 = vector.broadcast %gt3A_821 : f32 to vector<16xf32>
    %gt3A_823 = arith.cmpf ogt, %gather3A_820, %gt3A_822 : vector<16xf32>
    %div3A_824 = arith.constant 1.100000e+00 : f32
    %div3A_825 = vector.broadcast %div3A_824 : f32 to vector<16xf32>
    %div3A_826 = arith.divf %gather3A_820, %div3A_825 : vector<16xf32>
    %mul3A_827 = arith.constant 1.100000e+00 : f32
    %mul3A_828 = vector.broadcast %mul3A_827 : f32 to vector<16xf32>
    %mul3A_829 = arith.mulf %gather3A_820, %mul3A_828 : vector<16xf32>
    %select_n3A_830 = arith.select %gt3A_823, %div3A_826, %mul3A_829 : vector<16xi1>, vector<16xf32>
    %get3A_831 = arith.constant 80 : index
    %get3A_832 = tpu.vector_load %arg8[%get3A_831] {strides = array<i32>} : memref<256xi32, #tpu.memory_space<vmem>>, vector<16xi32>,
    %gather3A_833 = tpu.vector_load_idx %arg6[%get3A_832] : memref<32000xf32, #tpu.memory_space<vmem>>[vector<16xi32>], vector<16xf32>,
    %gt3A_834 = arith.constant 0.000000e+00 : f32
    %gt3A_835 = vector.broadcast %gt3A_834 : f32 to vector<16xf32>
    %gt3A_836 = arith.cmpf ogt, %gather3A_833, %gt3A_835 : vector<16xf32>
    %div3A_837 = arith.constant 1.100000e+00 : f32
    %div3A_838 = vector.broadcast %div3A_837 : f32 to vector<16xf32>
    %div3A_839 = arith.divf %gather3A_833, %div3A_838 : vector<16xf32>
    %mul3A_840 = arith.constant 1.100000e+00 : f32
    %mul3A_841 = vector.broadcast %mul3A_840 : f32 to vector<16xf32>
    %mul3A_842 = arith.mulf %gather3A_833, %mul3A_841 : vector<16xf32>
    %select_n3A_843 = arith.select %gt3A_836, %div3A_839, %mul3A_842 : vector<16xi1>, vector<16xf32>
    %get3A_844 = arith.constant 96 : index
    %get3A_845 = tpu.vector_load %arg8[%get3A_844] {strides = array<i32>} : memref<256xi32, #tpu.memory_space<vmem>>, vector<16xi32>,
    %gather3A_846 = tpu.vector_load_idx %arg6[%get3A_845] : memref<32000xf32, #tpu.memory_space<vmem>>[vector<16xi32>], vector<16xf32>,
    %gt3A_847 = arith.constant 0.000000e+00 : f32
    %gt3A_848 = vector.broadcast %gt3A_847 : f32 to vector<16xf32>
    %gt3A_849 = arith.cmpf ogt, %gather3A_846, %gt3A_848 : vector<16xf32>
    %div3A_850 = arith.constant 1.100000e+00 : f32
    %div3A_851 = vector.broadcast %div3A_850 : f32 to vector<16xf32>
    %div3A_852 = arith.divf %gather3A_846, %div3A_851 : vector<16xf32>
    %mul3A_853 = arith.constant 1.100000e+00 : f32
    %mul3A_854 = vector.broadcast %mul3A_853 : f32 to vector<16xf32>
    %mul3A_855 = arith.mulf %gather3A_846, %mul3A_854 : vector<16xf32>
    %select_n3A_856 = arith.select %gt3A_849, %div3A_852, %mul3A_855 : vector<16xi1>, vector<16xf32>
    %get3A_857 = arith.constant 112 : index
    %get3A_858 = tpu.vector_load %arg8[%get3A_857] {strides = array<i32>} : memref<256xi32, #tpu.memory_space<vmem>>, vector<16xi32>,
    %gather3A_859 = tpu.vector_load_idx %arg6[%get3A_858] : memref<32000xf32, #tpu.memory_space<vmem>>[vector<16xi32>], vector<16xf32>,
    %gt3A_860 = arith.constant 0.000000e+00 : f32
    %gt3A_861 = vector.broadcast %gt3A_860 : f32 to vector<16xf32>
    %gt3A_862 = arith.cmpf ogt, %gather3A_859, %gt3A_861 : vector<16xf32>
    %div3A_863 = arith.constant 1.100000e+00 : f32
    %div3A_864 = vector.broadcast %div3A_863 : f32 to vector<16xf32>
    %div3A_865 = arith.divf %gather3A_859, %div3A_864 : vector<16xf32>
    %mul3A_866 = arith.constant 1.100000e+00 : f32
    %mul3A_867 = vector.broadcast %mul3A_866 : f32 to vector<16xf32>
    %mul3A_868 = arith.mulf %gather3A_859, %mul3A_867 : vector<16xf32>
    %select_n3A_869 = arith.select %gt3A_862, %div3A_865, %mul3A_868 : vector<16xi1>, vector<16xf32>
    %get3A_870 = arith.constant 128 : index
    %get3A_871 = tpu.vector_load %arg8[%get3A_870] {strides = array<i32>} : memref<256xi32, #tpu.memory_space<vmem>>, vector<16xi32>,
    %gather3A_872 = tpu.vector_load_idx %arg6[%get3A_871] : memref<32000xf32, #tpu.memory_space<vmem>>[vector<16xi32>], vector<16xf32>,
    %gt3A_873 = arith.constant 0.000000e+00 : f32
    %gt3A_874 = vector.broadcast %gt3A_873 : f32 to vector<16xf32>
    %gt3A_875 = arith.cmpf ogt, %gather3A_872, %gt3A_874 : vector<16xf32>
    %div3A_876 = arith.constant 1.100000e+00 : f32
    %div3A_877 = vector.broadcast %div3A_876 : f32 to vector<16xf32>
    %div3A_878 = arith.divf %gather3A_872, %div3A_877 : vector<16xf32>
    %mul3A_879 = arith.constant 1.100000e+00 : f32
    %mul3A_880 = vector.broadcast %mul3A_879 : f32 to vector<16xf32>
    %mul3A_881 = arith.mulf %gather3A_872, %mul3A_880 : vector<16xf32>
    %select_n3A_882 = arith.select %gt3A_875, %div3A_878, %mul3A_881 : vector<16xi1>, vector<16xf32>
    %get3A_883 = arith.constant 144 : index
    %get3A_884 = tpu.vector_load %arg8[%get3A_883] {strides = array<i32>} : memref<256xi32, #tpu.memory_space<vmem>>, vector<16xi32>,
    %gather3A_885 = tpu.vector_load_idx %arg6[%get3A_884] : memref<32000xf32, #tpu.memory_space<vmem>>[vector<16xi32>], vector<16xf32>,
    %gt3A_886 = arith.constant 0.000000e+00 : f32
    %gt3A_887 = vector.broadcast %gt3A_886 : f32 to vector<16xf32>
    %gt3A_888 = arith.cmpf ogt, %gather3A_885, %gt3A_887 : vector<16xf32>
    %div3A_889 = arith.constant 1.100000e+00 : f32
    %div3A_890 = vector.broadcast %div3A_889 : f32 to vector<16xf32>
    %div3A_891 = arith.divf %gather3A_885, %div3A_890 : vector<16xf32>
    %mul3A_892 = arith.constant 1.100000e+00 : f32
    %mul3A_893 = vector.broadcast %mul3A_892 : f32 to vector<16xf32>
    %mul3A_894 = arith.mulf %gather3A_885, %mul3A_893 : vector<16xf32>
    %select_n3A_895 = arith.select %gt3A_888, %div3A_891, %mul3A_894 : vector<16xi1>, vector<16xf32>
    %get3A_896 = arith.constant 160 : index
    %get3A_897 = tpu.vector_load %arg8[%get3A_896] {strides = array<i32>} : memref<256xi32, #tpu.memory_space<vmem>>, vector<16xi32>,
    %gather3A_898 = tpu.vector_load_idx %arg6[%get3A_897] : memref<32000xf32, #tpu.memory_space<vmem>>[vector<16xi32>], vector<16xf32>,
    %gt3A_899 = arith.constant 0.000000e+00 : f32
    %gt3A_900 = vector.broadcast %gt3A_899 : f32 to vector<16xf32>
    %gt3A_901 = arith.cmpf ogt, %gather3A_898, %gt3A_900 : vector<16xf32>
    %div3A_902 = arith.constant 1.100000e+00 : f32
    %div3A_903 = vector.broadcast %div3A_902 : f32 to vector<16xf32>
    %div3A_904 = arith.divf %gather3A_898, %div3A_903 : vector<16xf32>
    %mul3A_905 = arith.constant 1.100000e+00 : f32
    %mul3A_906 = vector.broadcast %mul3A_905 : f32 to vector<16xf32>
    %mul3A_907 = arith.mulf %gather3A_898, %mul3A_906 : vector<16xf32>
    %select_n3A_908 = arith.select %gt3A_901, %div3A_904, %mul3A_907 : vector<16xi1>, vector<16xf32>
    %get3A_909 = arith.constant 176 : index
    %get3A_910 = tpu.vector_load %arg8[%get3A_909] {strides = array<i32>} : memref<256xi32, #tpu.memory_space<vmem>>, vector<16xi32>,
    %gather3A_911 = tpu.vector_load_idx %arg6[%get3A_910] : memref<32000xf32, #tpu.memory_space<vmem>>[vector<16xi32>], vector<16xf32>,
    %gt3A_912 = arith.constant 0.000000e+00 : f32
    %gt3A_913 = vector.broadcast %gt3A_912 : f32 to vector<16xf32>
    %gt3A_914 = arith.cmpf ogt, %gather3A_911, %gt3A_913 : vector<16xf32>
    %div3A_915 = arith.constant 1.100000e+00 : f32
    %div3A_916 = vector.broadcast %div3A_915 : f32 to vector<16xf32>
    %div3A_917 = arith.divf %gather3A_911, %div3A_916 : vector<16xf32>
    %mul3A_918 = arith.constant 1.100000e+00 : f32
    %mul3A_919 = vector.broadcast %mul3A_918 : f32 to vector<16xf32>
    %mul3A_920 = arith.mulf %gather3A_911, %mul3A_919 : vector<16xf32>
    %select_n3A_921 = arith.select %gt3A_914, %div3A_917, %mul3A_920 : vector<16xi1>, vector<16xf32>
    %get3A_922 = arith.constant 192 : index
    %get3A_923 = tpu.vector_load %arg8[%get3A_922] {strides = array<i32>} : memref<256xi32, #tpu.memory_space<vmem>>, vector<16xi32>,
    %gather3A_924 = tpu.vector_load_idx %arg6[%get3A_923] : memref<32000xf32, #tpu.memory_space<vmem>>[vector<16xi32>], vector<16xf32>,
    %gt3A_925 = arith.constant 0.000000e+00 : f32
    %gt3A_926 = vector.broadcast %gt3A_925 : f32 to vector<16xf32>
    %gt3A_927 = arith.cmpf ogt, %gather3A_924, %gt3A_926 : vector<16xf32>
    %div3A_928 = arith.constant 1.100000e+00 : f32
    %div3A_929 = vector.broadcast %div3A_928 : f32 to vector<16xf32>
    %div3A_930 = arith.divf %gather3A_924, %div3A_929 : vector<16xf32>
    %mul3A_931 = arith.constant 1.100000e+00 : f32
    %mul3A_932 = vector.broadcast %mul3A_931 : f32 to vector<16xf32>
    %mul3A_933 = arith.mulf %gather3A_924, %mul3A_932 : vector<16xf32>
    %select_n3A_934 = arith.select %gt3A_927, %div3A_930, %mul3A_933 : vector<16xi1>, vector<16xf32>
    %get3A_935 = arith.constant 208 : index
    %get3A_936 = tpu.vector_load %arg8[%get3A_935] {strides = array<i32>} : memref<256xi32, #tpu.memory_space<vmem>>, vector<16xi32>,
    %gather3A_937 = tpu.vector_load_idx %arg6[%get3A_936] : memref<32000xf32, #tpu.memory_space<vmem>>[vector<16xi32>], vector<16xf32>,
    %gt3A_938 = arith.constant 0.000000e+00 : f32
    %gt3A_939 = vector.broadcast %gt3A_938 : f32 to vector<16xf32>
    %gt3A_940 = arith.cmpf ogt, %gather3A_937, %gt3A_939 : vector<16xf32>
    %div3A_941 = arith.constant 1.100000e+00 : f32
    %div3A_942 = vector.broadcast %div3A_941 : f32 to vector<16xf32>
    %div3A_943 = arith.divf %gather3A_937, %div3A_942 : vector<16xf32>
    %mul3A_944 = arith.constant 1.100000e+00 : f32
    %mul3A_945 = vector.broadcast %mul3A_944 : f32 to vector<16xf32>
    %mul3A_946 = arith.mulf %gather3A_937, %mul3A_945 : vector<16xf32>
    %select_n3A_947 = arith.select %gt3A_940, %div3A_943, %mul3A_946 : vector<16xi1>, vector<16xf32>
    %get3A_948 = arith.constant 224 : index
    %get3A_949 = tpu.vector_load %arg8[%get3A_948] {strides = array<i32>} : memref<256xi32, #tpu.memory_space<vmem>>, vector<16xi32>,
    %gather3A_950 = tpu.vector_load_idx %arg6[%get3A_949] : memref<32000xf32, #tpu.memory_space<vmem>>[vector<16xi32>], vector<16xf32>,
    %gt3A_951 = arith.constant 0.000000e+00 : f32
    %gt3A_952 = vector.broadcast %gt3A_951 : f32 to vector<16xf32>
    %gt3A_953 = arith.cmpf ogt, %gather3A_950, %gt3A_952 : vector<16xf32>
    %div3A_954 = arith.constant 1.100000e+00 : f32
    %div3A_955 = vector.broadcast %div3A_954 : f32 to vector<16xf32>
    %div3A_956 = arith.divf %gather3A_950, %div3A_955 : vector<16xf32>
    %mul3A_957 = arith.constant 1.100000e+00 : f32
    %mul3A_958 = vector.broadcast %mul3A_957 : f32 to vector<16xf32>
    %mul3A_959 = arith.mulf %gather3A_950, %mul3A_958 : vector<16xf32>
    %select_n3A_960 = arith.select %gt3A_953, %div3A_956, %mul3A_959 : vector<16xi1>, vector<16xf32>
    %get3A_961 = arith.constant 240 : index
    %get3A_962 = tpu.vector_load %arg8[%get3A_961] {strides = array<i32>} : memref<256xi32, #tpu.memory_space<vmem>>, vector<16xi32>,
    %gather3A_963 = tpu.vector_load_idx %arg6[%get3A_962] : memref<32000xf32, #tpu.memory_space<vmem>>[vector<16xi32>], vector<16xf32>,
    %gt3A_964 = arith.constant 0.000000e+00 : f32
    %gt3A_965 = vector.broadcast %gt3A_964 : f32 to vector<16xf32>
    %gt3A_966 = arith.cmpf ogt, %gather3A_963, %gt3A_965 : vector<16xf32>
    %div3A_967 = arith.constant 1.100000e+00 : f32
    %div3A_968 = vector.broadcast %div3A_967 : f32 to vector<16xf32>
    %div3A_969 = arith.divf %gather3A_963, %div3A_968 : vector<16xf32>
    %mul3A_970 = arith.constant 1.100000e+00 : f32
    %mul3A_971 = vector.broadcast %mul3A_970 : f32 to vector<16xf32>
    %mul3A_972 = arith.mulf %gather3A_963, %mul3A_971 : vector<16xf32>
    %select_n3A_973 = arith.select %gt3A_966, %div3A_969, %mul3A_972 : vector<16xi1>, vector<16xf32>
    tpu.vector_store_idx %arg6[%get3A_767], %select_n3A_778 : memref<32000xf32, #tpu.memory_space<vmem>>[vector<16xi32>], vector<16xf32>,
    tpu.vector_store_idx %arg6[%get3A_780], %select_n3A_791 : memref<32000xf32, #tpu.memory_space<vmem>>[vector<16xi32>], vector<16xf32>,
    tpu.vector_store_idx %arg6[%get3A_793], %select_n3A_804 : memref<32000xf32, #tpu.memory_space<vmem>>[vector<16xi32>], vector<16xf32>,
    tpu.vector_store_idx %arg6[%get3A_806], %select_n3A_817 : memref<32000xf32, #tpu.memory_space<vmem>>[vector<16xi32>], vector<16xf32>,
    tpu.vector_store_idx %arg6[%get3A_819], %select_n3A_830 : memref<32000xf32, #tpu.memory_space<vmem>>[vector<16xi32>], vector<16xf32>,
    tpu.vector_store_idx %arg6[%get3A_832], %select_n3A_843 : memref<32000xf32, #tpu.memory_space<vmem>>[vector<16xi32>], vector<16xf32>,
    tpu.vector_store_idx %arg6[%get3A_845], %select_n3A_856 : memref<32000xf32, #tpu.memory_space<vmem>>[vector<16xi32>], vector<16xf32>,
    tpu.vector_store_idx %arg6[%get3A_858], %select_n3A_869 : memref<32000xf32, #tpu.memory_space<vmem>>[vector<16xi32>], vector<16xf32>,
    tpu.vector_store_idx %arg6[%get3A_871], %select_n3A_882 : memref<32000xf32, #tpu.memory_space<vmem>>[vector<16xi32>], vector<16xf32>,
    tpu.vector_store_idx %arg6[%get3A_884], %select_n3A_895 : memref<32000xf32, #tpu.memory_space<vmem>>[vector<16xi32>], vector<16xf32>,
    tpu.vector_store_idx %arg6[%get3A_897], %select_n3A_908 : memref<32000xf32, #tpu.memory_space<vmem>>[vector<16xi32>], vector<16xf32>,
    tpu.vector_store_idx %arg6[%get3A_910], %select_n3A_921 : memref<32000xf32, #tpu.memory_space<vmem>>[vector<16xi32>], vector<16xf32>,
    tpu.vector_store_idx %arg6[%get3A_923], %select_n3A_934 : memref<32000xf32, #tpu.memory_space<vmem>>[vector<16xi32>], vector<16xf32>,
    tpu.vector_store_idx %arg6[%get3A_936], %select_n3A_947 : memref<32000xf32, #tpu.memory_space<vmem>>[vector<16xi32>], vector<16xf32>,
    tpu.vector_store_idx %arg6[%get3A_949], %select_n3A_960 : memref<32000xf32, #tpu.memory_space<vmem>>[vector<16xi32>], vector<16xf32>,
    tpu.vector_store_idx %arg6[%get3A_962], %select_n3A_973 : memref<32000xf32, #tpu.memory_space<vmem>>[vector<16xi32>], vector<16xf32>,
    %dma_start3A_974 = arith.constant 0 : i32
    %dma_start3A_975 = tpu.memref_slice %arg4[%add3A_753, %dma_start3A_974] : memref<128x32000xf32, #tpu.memory_space<hbm>> -> memref<1x32000xf32, #tpu.memory_space<hbm>>
    %dma_start3A_976 = tpu.memref_squeeze %dma_start3A_975 : memref<1x32000xf32, #tpu.memory_space<hbm>> -> memref<32000xf32, #tpu.memory_space<hbm>>
    %dma_start3A_977 = arith.constant 0 : i32
    %dma_start3A_978 = tpu.memref_slice %arg4[%add3A_753, %dma_start3A_977] : memref<128x32000xf32, #tpu.memory_space<hbm>> -> memref<1x32000xf32, #tpu.memory_space<hbm>>
    %dma_start3A_979 = tpu.memref_squeeze %dma_start3A_978 : memref<1x32000xf32, #tpu.memory_space<hbm>> -> memref<32000xf32, #tpu.memory_space<hbm>>
    tpu.enqueue_dma source(%arg6 : memref<32000xf32, #tpu.memory_space<vmem>>) target(%dma_start3A_979 : memref<32000xf32, #tpu.memory_space<hbm>>) target_semaphore(%arg14 : memref<!tpu.dma_semaphore, #tpu.memory_space<semaphore_mem>>)
    %dma_wait3A_980 = arith.constant 0 : i32
    %dma_wait3A_981 = tpu.memref_slice %arg4[%add3A_503, %dma_wait3A_980] : memref<128x32000xf32, #tpu.memory_space<hbm>> -> memref<1x32000xf32, #tpu.memory_space<hbm>>
    %dma_wait3A_982 = tpu.memref_squeeze %dma_wait3A_981 : memref<1x32000xf32, #tpu.memory_space<hbm>> -> memref<32000xf32, #tpu.memory_space<hbm>>
    %dma_wait3A_983 = arith.constant 0 : i32
    %dma_wait3A_984 = tpu.memref_slice %arg4[%add3A_503, %dma_wait3A_983] : memref<128x32000xf32, #tpu.memory_space<hbm>> -> memref<1x32000xf32, #tpu.memory_space<hbm>>
    %dma_wait3A_985 = tpu.memref_squeeze %dma_wait3A_984 : memref<1x32000xf32, #tpu.memory_space<hbm>> -> memref<32000xf32, #tpu.memory_space<hbm>>
    tpu.wait_dma2 semaphore(%arg13 : memref<!tpu.dma_semaphore, #tpu.memory_space<semaphore_mem>>) src(%arg5 : memref<32000xf32, #tpu.memory_space<vmem>>) dst(%dma_wait3A_985 : memref<32000xf32, #tpu.memory_space<hbm>>)
    %dma_wait3A_986 = arith.constant 0 : i32
    %dma_wait3A_987 = tpu.memref_slice %arg4[%add3A_753, %dma_wait3A_986] : memref<128x32000xf32, #tpu.memory_space<hbm>> -> memref<1x32000xf32, #tpu.memory_space<hbm>>
    %dma_wait3A_988 = tpu.memref_squeeze %dma_wait3A_987 : memref<1x32000xf32, #tpu.memory_space<hbm>> -> memref<32000xf32, #tpu.memory_space<hbm>>
    %dma_wait3A_989 = arith.constant 0 : i32
    %dma_wait3A_990 = tpu.memref_slice %arg4[%add3A_753, %dma_wait3A_989] : memref<128x32000xf32, #tpu.memory_space<hbm>> -> memref<1x32000xf32, #tpu.memory_space<hbm>>
    %dma_wait3A_991 = tpu.memref_squeeze %dma_wait3A_990 : memref<1x32000xf32, #tpu.memory_space<hbm>> -> memref<32000xf32, #tpu.memory_space<hbm>>
    tpu.wait_dma2 semaphore(%arg14 : memref<!tpu.dma_semaphore, #tpu.memory_space<semaphore_mem>>) src(%arg6 : memref<32000xf32, #tpu.memory_space<vmem>>) dst(%dma_wait3A_991 : memref<32000xf32, #tpu.memory_space<hbm>>)
    return
  }
}

module attributes {stable_mosaic.version = 14 : i64} {
  func.func @_tc_body(%arg0: i32, %arg1: memref<64x32000xf32, #tpu.memory_space<vmem>>, %arg2: memref<64x32000xf32, #tpu.memory_space<vmem>>, %arg3: memref<64x1xi32, #tpu.memory_space<vmem>>) attributes {dimension_semantics = [#tpu.dimension_semantics<arbitrary>], iteration_bounds = array<i64: 2>, scalar_prefetch = 0 : i64, scratch_operands = 0 : i64, tpu.core_type = #tpu.core_type<tc>, window_params = [{transform_indices = @transform_0, window_bounds = array<i64: 64, 32000>}, {transform_indices = @transform_1, window_bounds = array<i64: 64, 32000>}, {transform_indices = @transform_2, window_bounds = array<i64: 64, 1>}]} {
    %get3A = arith.constant 0 : index
    %get3A_0 = arith.constant 0 : index
    %get3A_1 = vector.load %arg1[%get3A, %get3A_0] : memref<64x32000xf32, #tpu.memory_space<vmem>>, vector<64x32000xf32>
    %div3A = arith.constant 8.000000e-01 : f32
    %div3A_2 = vector.broadcast %div3A : f32 to vector<64x32000xf32>
    %div3A_3 = arith.divf %get3A_1, %div3A_2 : vector<64x32000xf32>
    %bitcast_convert_type3A = tpu.bitcast %div3A_3 : vector<64x32000xf32> -> vector<64x32000xi32>
    %ge3A = arith.constant 0 : i32
    %ge3A_4 = vector.broadcast %ge3A : i32 to vector<64x32000xi32>
    %ge3A_5 = arith.cmpi sge, %bitcast_convert_type3A, %ge3A_4 : vector<64x32000xi32>
    %xor3A = arith.constant 2147483647 : i32
    %xor3A_6 = vector.broadcast %xor3A : i32 to vector<64x32000xi32>
    %xor3A_7 = arith.xori %bitcast_convert_type3A, %xor3A_6 : vector<64x32000xi32>
    %select_n3A = arith.select %ge3A_5, %bitcast_convert_type3A, %xor3A_7 : vector<64x32000xi1>, vector<64x32000xi32>
    %reduce_max3A = arith.constant dense<0xFF800000> : vector<64xf32>
    %reduce_max3A_8 = vector.multi_reduction <maximumf>, %div3A_3, %reduce_max3A [1] : vector<64x32000xf32> to vector<64xf32>
    %broadcast_in_dim3A = vector.shape_cast %reduce_max3A_8 : vector<64xf32> to vector<64x1xf32>
    %reduce_min3A = arith.constant dense<0x7F800000> : vector<64xf32>
    %reduce_min3A_9 = vector.multi_reduction <minimumf>, %div3A_3, %reduce_min3A [1] : vector<64x32000xf32> to vector<64xf32>
    %broadcast_in_dim3A_10 = vector.shape_cast %reduce_min3A_9 : vector<64xf32> to vector<64x1xf32>
    %bitcast_convert_type3A_11 = tpu.bitcast %broadcast_in_dim3A_10 : vector<64x1xf32> -> vector<64x1xi32>
    %ge3A_12 = arith.constant 0 : i32
    %ge3A_13 = vector.broadcast %ge3A_12 : i32 to vector<64x1xi32>
    %ge3A_14 = arith.cmpi sge, %bitcast_convert_type3A_11, %ge3A_13 : vector<64x1xi32>
    %xor3A_15 = arith.constant 2147483647 : i32
    %xor3A_16 = vector.broadcast %xor3A_15 : i32 to vector<64x1xi32>
    %xor3A_17 = arith.xori %bitcast_convert_type3A_11, %xor3A_16 : vector<64x1xi32>
    %select_n3A_18 = arith.select %ge3A_14, %bitcast_convert_type3A_11, %xor3A_17 : vector<64x1xi1>, vector<64x1xi32>
    %bitcast_convert_type3A_19 = tpu.bitcast %broadcast_in_dim3A : vector<64x1xf32> -> vector<64x1xi32>
    %ge3A_20 = arith.constant 0 : i32
    %ge3A_21 = vector.broadcast %ge3A_20 : i32 to vector<64x1xi32>
    %ge3A_22 = arith.cmpi sge, %bitcast_convert_type3A_19, %ge3A_21 : vector<64x1xi32>
    %xor3A_23 = arith.constant 2147483647 : i32
    %xor3A_24 = vector.broadcast %xor3A_23 : i32 to vector<64x1xi32>
    %xor3A_25 = arith.xori %bitcast_convert_type3A_19, %xor3A_24 : vector<64x1xi32>
    %select_n3A_26 = arith.select %ge3A_22, %bitcast_convert_type3A_19, %xor3A_25 : vector<64x1xi1>, vector<64x1xi32>
    %sub3A = arith.constant 16777216 : i32
    %sub3A_27 = vector.broadcast %sub3A : i32 to vector<64x1xi32>
    %sub3A_28 = arith.subi %select_n3A_26, %sub3A_27 : vector<64x1xi32>
    %ge3A_29 = vector.broadcast %sub3A_28 : vector<64x1xi32> to vector<64x32000xi32>
    %ge3A_30 = arith.cmpi sge, %select_n3A, %ge3A_29 : vector<64x32000xi32>
    %convert_element_type3A = arith.extui %ge3A_30 : vector<64x32000xi1> to vector<64x32000xi32>
    %reduce_sum3A = arith.constant dense<0> : vector<64xi32>
    %reduce_sum3A_31 = vector.multi_reduction <add>, %convert_element_type3A, %reduce_sum3A [1] : vector<64x32000xi32> to vector<64xi32>
    %broadcast_in_dim3A_32 = vector.shape_cast %reduce_sum3A_31 : vector<64xi32> to vector<64x1xi32>
    %ge3A_33 = arith.constant 50 : i32
    %ge3A_34 = vector.broadcast %ge3A_33 : i32 to vector<64x1xi32>
    %ge3A_35 = arith.cmpi sge, %broadcast_in_dim3A_32, %ge3A_34 : vector<64x1xi32>
    %select_n3A_36 = arith.select %ge3A_35, %sub3A_28, %select_n3A_18 : vector<64x1xi1>, vector<64x1xi32>
    %add3A = arith.constant 1 : i32
    %add3A_37 = vector.broadcast %add3A : i32 to vector<64x1xi32>
    %add3A_38 = arith.addi %select_n3A_26, %add3A_37 : vector<64x1xi32>
    %select_n3A_39 = arith.select %ge3A_35, %add3A_38, %sub3A_28 : vector<64x1xi1>, vector<64x1xi32>
    %while3A:2 = scf.while (%while3A_83 = %select_n3A_36, %while3A_84 = %select_n3A_39) : (vector<64x1xi32>, vector<64x1xi32>) -> (vector<64x1xi32>, vector<64x1xi32>) {
      %sub3A_85 = arith.constant 1 : i32
      %sub3A_86 = vector.broadcast %sub3A_85 : i32 to vector<64x1xi32>
      %sub3A_87 = arith.subi %while3A_84, %sub3A_86 : vector<64x1xi32>
      %gt3A = arith.cmpi sgt, %sub3A_87, %while3A_83 : vector<64x1xi32>
      %reduce_or3A = arith.constant 1.000000e+00 : f32
      %reduce_or3A_88 = arith.constant 0.000000e+00 : f32
      %reduce_or3A_89 = vector.broadcast %reduce_or3A : f32 to vector<64x1xf32>
      %reduce_or3A_90 = vector.broadcast %reduce_or3A_88 : f32 to vector<64x1xf32>
      %reduce_or3A_91 = arith.select %gt3A, %reduce_or3A_89, %reduce_or3A_90 : vector<64x1xi1>, vector<64x1xf32>
      %reduce_or3A_92 = vector.shape_cast %reduce_or3A_91 : vector<64x1xf32> to vector<1x64x1xf32>
      %reduce_or3A_93 = arith.constant dense<0xFF800000> : vector<1xf32>
      %reduce_or3A_94 = vector.multi_reduction <maximumf>, %reduce_or3A_92, %reduce_or3A_93 [1, 2] : vector<1x64x1xf32> to vector<1xf32>
      %reduce_or3A_95 = vector.shape_cast %reduce_or3A_94 : vector<1xf32> to vector<1x1x1xf32>
      %reduce_or3A_96 = vector.extract %reduce_or3A_95[0, 0, 0] : f32 from vector<1x1x1xf32>
      %reduce_or3A_97 = arith.constant 0.000000e+00 : f32
      %reduce_or3A_98 = arith.cmpf ogt, %reduce_or3A_96, %reduce_or3A_97 : f32
      scf.condition(%reduce_or3A_98) %while3A_83, %while3A_84 : vector<64x1xi32>, vector<64x1xi32>
    } do {
    ^bb0(%while3A_83: vector<64x1xi32>, %while3A_84: vector<64x1xi32>):
      %shift_right_arithmetic3A = arith.constant 1 : i32
      %shift_right_arithmetic3A_85 = vector.broadcast %shift_right_arithmetic3A : i32 to vector<64x1xi32>
      %shift_right_arithmetic3A_86 = arith.shrsi %while3A_83, %shift_right_arithmetic3A_85 : vector<64x1xi32>
      %shift_right_arithmetic3A_87 = arith.constant 1 : i32
      %shift_right_arithmetic3A_88 = vector.broadcast %shift_right_arithmetic3A_87 : i32 to vector<64x1xi32>
      %shift_right_arithmetic3A_89 = arith.shrsi %while3A_84, %shift_right_arithmetic3A_88 : vector<64x1xi32>
      %add3A_90 = arith.addi %shift_right_arithmetic3A_86, %shift_right_arithmetic3A_89 : vector<64x1xi32>
      %and3A = arith.andi %while3A_83, %while3A_84 : vector<64x1xi32>
      %and3A_91 = arith.constant 1 : i32
      %and3A_92 = vector.broadcast %and3A_91 : i32 to vector<64x1xi32>
      %and3A_93 = arith.andi %and3A, %and3A_92 : vector<64x1xi32>
      %add3A_94 = arith.addi %add3A_90, %and3A_93 : vector<64x1xi32>
      %ge3A_95 = vector.broadcast %add3A_94 : vector<64x1xi32> to vector<64x32000xi32>
      %ge3A_96 = arith.cmpi sge, %select_n3A, %ge3A_95 : vector<64x32000xi32>
      %convert_element_type3A_97 = arith.extui %ge3A_96 : vector<64x32000xi1> to vector<64x32000xi32>
      %reduce_sum3A_98 = arith.constant dense<0> : vector<64xi32>
      %reduce_sum3A_99 = vector.multi_reduction <add>, %convert_element_type3A_97, %reduce_sum3A_98 [1] : vector<64x32000xi32> to vector<64xi32>
      %broadcast_in_dim3A_100 = vector.shape_cast %reduce_sum3A_99 : vector<64xi32> to vector<64x1xi32>
      %ge3A_101 = arith.constant 50 : i32
      %ge3A_102 = vector.broadcast %ge3A_101 : i32 to vector<64x1xi32>
      %ge3A_103 = arith.cmpi sge, %broadcast_in_dim3A_100, %ge3A_102 : vector<64x1xi32>
      %select_n3A_104 = arith.select %ge3A_103, %add3A_94, %while3A_83 : vector<64x1xi1>, vector<64x1xi32>
      %select_n3A_105 = arith.select %ge3A_103, %while3A_84, %add3A_94 : vector<64x1xi1>, vector<64x1xi32>
      %shift_right_arithmetic3A_106 = arith.constant 1 : i32
      %shift_right_arithmetic3A_107 = vector.broadcast %shift_right_arithmetic3A_106 : i32 to vector<64x1xi32>
      %shift_right_arithmetic3A_108 = arith.shrsi %select_n3A_104, %shift_right_arithmetic3A_107 : vector<64x1xi32>
      %shift_right_arithmetic3A_109 = arith.constant 1 : i32
      %shift_right_arithmetic3A_110 = vector.broadcast %shift_right_arithmetic3A_109 : i32 to vector<64x1xi32>
      %shift_right_arithmetic3A_111 = arith.shrsi %select_n3A_105, %shift_right_arithmetic3A_110 : vector<64x1xi32>
      %add3A_112 = arith.addi %shift_right_arithmetic3A_108, %shift_right_arithmetic3A_111 : vector<64x1xi32>
      %and3A_113 = arith.andi %select_n3A_104, %select_n3A_105 : vector<64x1xi32>
      %and3A_114 = arith.constant 1 : i32
      %and3A_115 = vector.broadcast %and3A_114 : i32 to vector<64x1xi32>
      %and3A_116 = arith.andi %and3A_113, %and3A_115 : vector<64x1xi32>
      %add3A_117 = arith.addi %add3A_112, %and3A_116 : vector<64x1xi32>
      %ge3A_118 = vector.broadcast %add3A_117 : vector<64x1xi32> to vector<64x32000xi32>
      %ge3A_119 = arith.cmpi sge, %select_n3A, %ge3A_118 : vector<64x32000xi32>
      %convert_element_type3A_120 = arith.extui %ge3A_119 : vector<64x32000xi1> to vector<64x32000xi32>
      %reduce_sum3A_121 = arith.constant dense<0> : vector<64xi32>
      %reduce_sum3A_122 = vector.multi_reduction <add>, %convert_element_type3A_120, %reduce_sum3A_121 [1] : vector<64x32000xi32> to vector<64xi32>
      %broadcast_in_dim3A_123 = vector.shape_cast %reduce_sum3A_122 : vector<64xi32> to vector<64x1xi32>
      %ge3A_124 = arith.constant 50 : i32
      %ge3A_125 = vector.broadcast %ge3A_124 : i32 to vector<64x1xi32>
      %ge3A_126 = arith.cmpi sge, %broadcast_in_dim3A_123, %ge3A_125 : vector<64x1xi32>
      %select_n3A_127 = arith.select %ge3A_126, %add3A_117, %select_n3A_104 : vector<64x1xi1>, vector<64x1xi32>
      %select_n3A_128 = arith.select %ge3A_126, %select_n3A_105, %add3A_117 : vector<64x1xi1>, vector<64x1xi32>
      scf.yield %select_n3A_127, %select_n3A_128 : vector<64x1xi32>, vector<64x1xi32>
    }
    %ge3A_40 = vector.broadcast %while3A#0 : vector<64x1xi32> to vector<64x32000xi32>
    %ge3A_41 = arith.cmpi sge, %select_n3A, %ge3A_40 : vector<64x32000xi32>
    %sub3A_42 = vector.broadcast %broadcast_in_dim3A : vector<64x1xf32> to vector<64x32000xf32>
    %sub3A_43 = arith.subf %div3A_3, %sub3A_42 : vector<64x32000xf32>
    %exp3A = math.exp %sub3A_43 : vector<64x32000xf32>
    %jit3A = arith.constant 0.000000e+00 : f32
    %broadcast_in_dim3A_44 = vector.broadcast %jit3A : f32 to vector<64x32000xf32>
    %select_n3A_45 = arith.select %ge3A_41, %exp3A, %broadcast_in_dim3A_44 : vector<64x32000xi1>, vector<64x32000xf32>
    %reduce_sum3A_46 = arith.constant dense<0.000000e+00> : vector<64xf32>
    %reduce_sum3A_47 = vector.multi_reduction <add>, %select_n3A_45, %reduce_sum3A_46 [1] : vector<64x32000xf32> to vector<64xf32>
    %broadcast_in_dim3A_48 = vector.shape_cast %reduce_sum3A_47 : vector<64xf32> to vector<64x1xf32>
    %mul3A = arith.constant 0.899999976 : f32
    %mul3A_49 = vector.broadcast %mul3A : f32 to vector<64x1xf32>
    %mul3A_50 = arith.mulf %mul3A_49, %broadcast_in_dim3A_48 : vector<64x1xf32>
    %add3A_51 = arith.constant 1 : i32
    %add3A_52 = vector.broadcast %add3A_51 : i32 to vector<64x1xi32>
    %add3A_53 = arith.addi %select_n3A_26, %add3A_52 : vector<64x1xi32>
    %while3A_54:2 = scf.while (%while3A_83 = %while3A#0, %while3A_84 = %add3A_53) : (vector<64x1xi32>, vector<64x1xi32>) -> (vector<64x1xi32>, vector<64x1xi32>) {
      %sub3A_85 = arith.constant 1 : i32
      %sub3A_86 = vector.broadcast %sub3A_85 : i32 to vector<64x1xi32>
      %sub3A_87 = arith.subi %while3A_84, %sub3A_86 : vector<64x1xi32>
      %gt3A = arith.cmpi sgt, %sub3A_87, %while3A_83 : vector<64x1xi32>
      %reduce_or3A = arith.constant 1.000000e+00 : f32
      %reduce_or3A_88 = arith.constant 0.000000e+00 : f32
      %reduce_or3A_89 = vector.broadcast %reduce_or3A : f32 to vector<64x1xf32>
      %reduce_or3A_90 = vector.broadcast %reduce_or3A_88 : f32 to vector<64x1xf32>
      %reduce_or3A_91 = arith.select %gt3A, %reduce_or3A_89, %reduce_or3A_90 : vector<64x1xi1>, vector<64x1xf32>
      %reduce_or3A_92 = vector.shape_cast %reduce_or3A_91 : vector<64x1xf32> to vector<1x64x1xf32>
      %reduce_or3A_93 = arith.constant dense<0xFF800000> : vector<1xf32>
      %reduce_or3A_94 = vector.multi_reduction <maximumf>, %reduce_or3A_92, %reduce_or3A_93 [1, 2] : vector<1x64x1xf32> to vector<1xf32>
      %reduce_or3A_95 = vector.shape_cast %reduce_or3A_94 : vector<1xf32> to vector<1x1x1xf32>
      %reduce_or3A_96 = vector.extract %reduce_or3A_95[0, 0, 0] : f32 from vector<1x1x1xf32>
      %reduce_or3A_97 = arith.constant 0.000000e+00 : f32
      %reduce_or3A_98 = arith.cmpf ogt, %reduce_or3A_96, %reduce_or3A_97 : f32
      scf.condition(%reduce_or3A_98) %while3A_83, %while3A_84 : vector<64x1xi32>, vector<64x1xi32>
    } do {
    ^bb0(%while3A_83: vector<64x1xi32>, %while3A_84: vector<64x1xi32>):
      %shift_right_arithmetic3A = arith.constant 1 : i32
      %shift_right_arithmetic3A_85 = vector.broadcast %shift_right_arithmetic3A : i32 to vector<64x1xi32>
      %shift_right_arithmetic3A_86 = arith.shrsi %while3A_83, %shift_right_arithmetic3A_85 : vector<64x1xi32>
      %shift_right_arithmetic3A_87 = arith.constant 1 : i32
      %shift_right_arithmetic3A_88 = vector.broadcast %shift_right_arithmetic3A_87 : i32 to vector<64x1xi32>
      %shift_right_arithmetic3A_89 = arith.shrsi %while3A_84, %shift_right_arithmetic3A_88 : vector<64x1xi32>
      %add3A_90 = arith.addi %shift_right_arithmetic3A_86, %shift_right_arithmetic3A_89 : vector<64x1xi32>
      %and3A = arith.andi %while3A_83, %while3A_84 : vector<64x1xi32>
      %and3A_91 = arith.constant 1 : i32
      %and3A_92 = vector.broadcast %and3A_91 : i32 to vector<64x1xi32>
      %and3A_93 = arith.andi %and3A, %and3A_92 : vector<64x1xi32>
      %add3A_94 = arith.addi %add3A_90, %and3A_93 : vector<64x1xi32>
      %ge3A_95 = vector.broadcast %add3A_94 : vector<64x1xi32> to vector<64x32000xi32>
      %ge3A_96 = arith.cmpi sge, %select_n3A, %ge3A_95 : vector<64x32000xi32>
      %jit3A_97 = arith.constant 0.000000e+00 : f32
      %broadcast_in_dim3A_98 = vector.broadcast %jit3A_97 : f32 to vector<64x32000xf32>
      %select_n3A_99 = arith.select %ge3A_96, %select_n3A_45, %broadcast_in_dim3A_98 : vector<64x32000xi1>, vector<64x32000xf32>
      %reduce_sum3A_100 = arith.constant dense<0.000000e+00> : vector<64xf32>
      %reduce_sum3A_101 = vector.multi_reduction <add>, %select_n3A_99, %reduce_sum3A_100 [1] : vector<64x32000xf32> to vector<64xf32>
      %broadcast_in_dim3A_102 = vector.shape_cast %reduce_sum3A_101 : vector<64xf32> to vector<64x1xf32>
      %gt3A = arith.cmpf ogt, %broadcast_in_dim3A_102, %mul3A_50 : vector<64x1xf32>
      %select_n3A_103 = arith.select %gt3A, %add3A_94, %while3A_83 : vector<64x1xi1>, vector<64x1xi32>
      %select_n3A_104 = arith.select %gt3A, %while3A_84, %add3A_94 : vector<64x1xi1>, vector<64x1xi32>
      %shift_right_arithmetic3A_105 = arith.constant 1 : i32
      %shift_right_arithmetic3A_106 = vector.broadcast %shift_right_arithmetic3A_105 : i32 to vector<64x1xi32>
      %shift_right_arithmetic3A_107 = arith.shrsi %select_n3A_103, %shift_right_arithmetic3A_106 : vector<64x1xi32>
      %shift_right_arithmetic3A_108 = arith.constant 1 : i32
      %shift_right_arithmetic3A_109 = vector.broadcast %shift_right_arithmetic3A_108 : i32 to vector<64x1xi32>
      %shift_right_arithmetic3A_110 = arith.shrsi %select_n3A_104, %shift_right_arithmetic3A_109 : vector<64x1xi32>
      %add3A_111 = arith.addi %shift_right_arithmetic3A_107, %shift_right_arithmetic3A_110 : vector<64x1xi32>
      %and3A_112 = arith.andi %select_n3A_103, %select_n3A_104 : vector<64x1xi32>
      %and3A_113 = arith.constant 1 : i32
      %and3A_114 = vector.broadcast %and3A_113 : i32 to vector<64x1xi32>
      %and3A_115 = arith.andi %and3A_112, %and3A_114 : vector<64x1xi32>
      %add3A_116 = arith.addi %add3A_111, %and3A_115 : vector<64x1xi32>
      %ge3A_117 = vector.broadcast %add3A_116 : vector<64x1xi32> to vector<64x32000xi32>
      %ge3A_118 = arith.cmpi sge, %select_n3A, %ge3A_117 : vector<64x32000xi32>
      %jit3A_119 = arith.constant 0.000000e+00 : f32
      %broadcast_in_dim3A_120 = vector.broadcast %jit3A_119 : f32 to vector<64x32000xf32>
      %select_n3A_121 = arith.select %ge3A_118, %select_n3A_45, %broadcast_in_dim3A_120 : vector<64x32000xi1>, vector<64x32000xf32>
      %reduce_sum3A_122 = arith.constant dense<0.000000e+00> : vector<64xf32>
      %reduce_sum3A_123 = vector.multi_reduction <add>, %select_n3A_121, %reduce_sum3A_122 [1] : vector<64x32000xf32> to vector<64xf32>
      %broadcast_in_dim3A_124 = vector.shape_cast %reduce_sum3A_123 : vector<64xf32> to vector<64x1xf32>
      %gt3A_125 = arith.cmpf ogt, %broadcast_in_dim3A_124, %mul3A_50 : vector<64x1xf32>
      %select_n3A_126 = arith.select %gt3A_125, %add3A_116, %select_n3A_103 : vector<64x1xi1>, vector<64x1xi32>
      %select_n3A_127 = arith.select %gt3A_125, %select_n3A_104, %add3A_116 : vector<64x1xi1>, vector<64x1xi32>
      scf.yield %select_n3A_126, %select_n3A_127 : vector<64x1xi32>, vector<64x1xi32>
    }
    %sub3A_55 = arith.constant 1 : i32
    %sub3A_56 = vector.broadcast %sub3A_55 : i32 to vector<64x1xi32>
    %sub3A_57 = arith.subi %while3A_54#1, %sub3A_56 : vector<64x1xi32>
    %ge3A_58 = vector.broadcast %sub3A_57 : vector<64x1xi32> to vector<64x32000xi32>
    %ge3A_59 = arith.cmpi sge, %select_n3A, %ge3A_58 : vector<64x32000xi32>
    %jit3A_60 = arith.constant 0.000000e+00 : f32
    %broadcast_in_dim3A_61 = vector.broadcast %jit3A_60 : f32 to vector<64x32000xf32>
    %select_n3A_62 = arith.select %ge3A_59, %select_n3A_45, %broadcast_in_dim3A_61 : vector<64x32000xi1>, vector<64x32000xf32>
    %reduce_sum3A_63 = arith.constant dense<0.000000e+00> : vector<64xf32>
    %reduce_sum3A_64 = vector.multi_reduction <add>, %select_n3A_62, %reduce_sum3A_63 [1] : vector<64x32000xf32> to vector<64xf32>
    %broadcast_in_dim3A_65 = vector.shape_cast %reduce_sum3A_64 : vector<64xf32> to vector<64x1xf32>
    %div3A_66 = vector.broadcast %broadcast_in_dim3A_65 : vector<64x1xf32> to vector<64x32000xf32>
    %div3A_67 = arith.divf %select_n3A_62, %div3A_66 : vector<64x32000xf32>
    %swap3A = arith.constant 0 : index
    %swap3A_68 = arith.constant 0 : index
    %swap3A_69 = vector.load %arg2[%swap3A, %swap3A_68] : memref<64x32000xf32, #tpu.memory_space<vmem>>, vector<64x32000xf32>
    tpu.vector_store %arg2[%swap3A, %swap3A_68], %div3A_67 {strides = array<i32>} : memref<64x32000xf32, #tpu.memory_space<vmem>>, vector<64x32000xf32>,
    %reduce_max3A_70 = arith.constant dense<0xFF800000> : vector<64xf32>
    %reduce_max3A_71 = vector.multi_reduction <maximumf>, %div3A_67, %reduce_max3A_70 [1] : vector<64x32000xf32> to vector<64xf32>
    %broadcast_in_dim3A_72 = vector.shape_cast %reduce_max3A_71 : vector<64xf32> to vector<64x1xf32>
    %iota3A = tpu.iota {dimensions = array<i32: 1>} : vector<64x32000xi32>
    %eq3A = vector.broadcast %broadcast_in_dim3A_72 : vector<64x1xf32> to vector<64x32000xf32>
    %eq3A_73 = arith.cmpf oeq, %div3A_67, %eq3A : vector<64x32000xf32>
    %jit3A_74 = arith.constant 32000 : i32
    %broadcast_in_dim3A_75 = vector.broadcast %jit3A_74 : i32 to vector<64x32000xi32>
    %select_n3A_76 = arith.select %eq3A_73, %iota3A, %broadcast_in_dim3A_75 : vector<64x32000xi1>, vector<64x32000xi32>
    %reduce_min3A_77 = arith.constant dense<2147483647> : vector<64xi32>
    %reduce_min3A_78 = vector.multi_reduction <minsi>, %select_n3A_76, %reduce_min3A_77 [1] : vector<64x32000xi32> to vector<64xi32>
    %broadcast_in_dim3A_79 = vector.shape_cast %reduce_min3A_78 : vector<64xi32> to vector<64x1xi32>
    %swap3A_80 = arith.constant 0 : index
    %swap3A_81 = arith.constant 0 : index
    %swap3A_82 = vector.load %arg3[%swap3A_80, %swap3A_81] : memref<64x1xi32, #tpu.memory_space<vmem>>, vector<64x1xi32>
    tpu.vector_store %arg3[%swap3A_80, %swap3A_81], %broadcast_in_dim3A_79 {strides = array<i32>} : memref<64x1xi32, #tpu.memory_space<vmem>>, vector<64x1xi32>,
    return
  }
  func.func @transform_0(%arg0: i32) -> (i32, i32) {
    %c0_i32 = arith.constant 0 : i32
    %c0_i32_0 = arith.constant 0 : i32
    return %arg0, %c0_i32 : i32, i32
  }
  func.func @transform_1(%arg0: i32) -> (i32, i32) {
    %c0_i32 = arith.constant 0 : i32
    %c0_i32_0 = arith.constant 0 : i32
    return %arg0, %c0_i32 : i32, i32
  }
  func.func @transform_2(%arg0: i32) -> (i32, i32) {
    %c0_i32 = arith.constant 0 : i32
    %c0_i32_0 = arith.constant 0 : i32
    return %arg0, %c0_i32 : i32, i32
  }
}

</mosaic_0001>

<sc_bundles>
// kernel: kernel.4.cloned.1.call-start
scs
__scs_entry_jumppad:
0x0: {  	(pc) =	sbr.rel $0x88, $3  }
0x1: {  	(tag) =	ssettag $0x0;
	lr =	simm.s32 $0x1  }
0x2: {  	[smem:$0x3F9F] =	sst lr;
	_ =	strace $0xD0000000  }
0x3: {  	_ = 	snop  }
0x4: {  	_ = 	snop  }
0x5: {  	_ = 	snop  }
0x6: {  	_ = 	snop  }
0x7: {  	_ = 	snop  }
__scs_overlays_trampoline_lowered:
0x8: {  	[smem:$0x3FAE] =	sst s0  }
0x9: {  	[smem:$0x3FAF] =	sst s1  }
0xa: {  	[smem:$0x3FB0] =	sst s2  }
0xb: {  	[smem:$0x3FB1] =	sst s3  }
0xc: {  	[smem:$0x3FB2] =	sst s4  }
0xd: {  	[smem:$0x3FB3] =	sst s5  }
0xe: {  	[smem:$0x3FB4] =	sst s6  }
0xf: {  	[smem:$0x3FB5] =	sst s7  }
0x10: {  	[smem:$0x3FB6] =	sst s8  }
0x11: {  	[smem:$0x3FB7] =	sst s9;
	s0 =	simm.s32 @!p0 $0x0  }
0x12: {  	s1 =	sld [smem:$0x3F9D];
	s0 =	simm.s32 @p0 $0x1  }
0x13: {  	[smem:$0x3FB8] =	sst s0;
	s0 =	simm.s32 @!p1 $0x0  }
0x14: {  	s2 =	sld [smem:$0x3F9C];
	s0 =	simm.s32 @p1 $0x1  }
0x15: {  	[smem:$0x3FB9] =	sst s0;
	s0 =	simm.s32 @!p2 $0x0  }
0x16: {  	s3 =	sld [smem:$0x3FDB];
	s0 =	simm.s32 @p2 $0x1  }
0x17: {  	s4 =	simm.s32 $0x1BF5;
	[smem:$0x3FBB] =	sst s0  }
0x18: {  	s0 =	sld [smem:$0x3F9E];
	_ =	swait.ge [sflag:s4], $0x0  }
0x19: {  	s7 =	sld [smem:$0x3F9F]  }
0x1a: {  	s8 =	sadd.s32 $0xFFFFE003, lr  }
0x1b: {  	s9 =	sadd.s32 $0xFFFFFEF7, lr;
	s5 =	simm.s32 $0xFFFFFFFF;
	p2 =	slt.u32 s8, $0xFFFFF086  }
0x1c: {  	p1 =	slt.u32 s9, $0xF7A;
	s5 =	simm.s32 @!p2 $0x0  }
0x1d: {  	s5 =	simm.s32 @p1 $0x1;
	p0 =	seq.s32 s7, s2  }
0x1e: {  	s7 =	smul.u32 @!p0 $0xF7A, s2;
	p2 =	seq.s32 @!p0 s5, $0x0  }
0x1f: {  	s9 =	smul.u32 $0xF7A, s1;
	s8 =	simm.s32 @!p0 $0x1BF5;
	p2 =	por !p2, p0  }
0x20: {  	[sflag:s8] =	ssyncset.s32 @!p0 $0xFFFFF086;
	s6 =	sadd.s32 @!p0 s3, s7;
	s7 =	simm.s32 @!p0 $0x108  }
0x21: {  	s3 =	sadd.s32 s3, s9;
	s6 =	sadd.s32 @!p0 $0x88, s6;
	s7 =	simm.s32 @p2 $0x1082  }
0x22: {  	[simem:s7], [sflag:s8] =	dma.local @!p0 [hbm:s6], $0xF7A  }
0x23: {  	s9 =	sor.u32 $0xD0000000, s2;
	s6 =	simm.s32 $0x108;
	_ =	swait.ge @!p0 [sflag:s8], $0x0  }
0x24: {  	s3 =	sadd.s32 $0x88, s3;
	s6 =	simm.s32 @!p1 $0x1082;
	[sflag:s4] =	ssyncset.s32 $0xFFFFF086  }
0x25: {  	[simem:s6], [sflag:s4] =	dma.local [hbm:s3], $0xF7A  }
0x26: {  	[smem:$0x3F9F] =	sst s1;
	(tag) =	ssettag s2;
	_ =	strace s9  }
0x27: {  	s1 =	sld [smem:$0x3FAF]  }
0x28: {  	s2 =	sld [smem:$0x3FB0]  }
0x29: {  	s4 =	sld [smem:$0x3FB2]  }
0x2a: {  	p0 =	seq.s32 s5, $0x0;
	s5 =	sld [smem:$0x3FB3]  }
0x2b: {  	s6 =	sld [smem:$0x3FB4]  }
0x2c: {  	s7 =	sld [smem:$0x3FB5]  }
0x2d: {  	s3 =	simm.s32 $0x108;
	s8 =	sld [smem:$0x3FB6]  }
0x2e: {  	s3 =	simm.s32 @!p0 $0x1082;
	s9 =	sld [smem:$0x3FB7]  }
0x2f: {  	lr =	sadd.s32 s0, s3;
	s0 =	sld [smem:$0x3FAE]  }
0x30: {  	s3 =	sld [smem:$0x3FB1]  }
0x31: {  	[smem:$0x3FBA] =	sst s10  }
0x32: {  	s10 =	sld [smem:$0x3FB8];
	_ =	sdelay $0x3  }
0x33: {  	p0 =	seq.s32 s10, $0x1;
	s10 =	sld [smem:$0x3FBA];
	_ =	sdelay $0x3  }
0x34: {  	[smem:$0x3FBA] =	sst s10  }
0x35: {  	s10 =	sld [smem:$0x3FB9];
	_ =	sdelay $0x3  }
0x36: {  	p1 =	seq.s32 s10, $0x1;
	s10 =	sld [smem:$0x3FBA];
	_ =	sdelay $0x3  }
0x37: {  	[smem:$0x3FBA] =	sst s10  }
0x38: {  	s10 =	sld [smem:$0x3FBB]  }
0x39: {  	_ = 	snop;
	(pc) =	sbr.ind lr, $3  }
0x3a: {  	_ = 	snop  }
0x3b: {  	_ = 	snop  }
0x3c: {  	p2 =	seq.s32 s10, $0x1;
	s10 =	sld [smem:$0x3FBA]  }
0x3d: {  	_ =	shalt  }
0x3e: {  	_ =	shalt  }
0x3f: {  	_ =	shalt  }
0x40: {  	_ =	shalt  }
0x41: {  	_ =	shalt  }
0x42: {  	_ =	shalt  }
0x43: {  	_ =	shalt  }
0x44: {  	_ =	shalt  }
0x45: {  	_ =	shalt  }
0x46: {  	_ =	shalt  }
0x47: {  	_ =	shalt  }
0x48: {  	_ =	shalt  }
0x49: {  	_ =	shalt  }
0x4a: {  	_ =	shalt  }
0x4b: {  	_ =	shalt  }
0x4c: {  	_ =	shalt  }
0x4d: {  	_ =	shalt  }
0x4e: {  	_ =	shalt  }
0x4f: {  	_ =	shalt  }
0x50: {  	_ =	shalt  }
0x51: {  	_ =	shalt  }
0x52: {  	_ =	shalt  }
0x53: {  	_ =	shalt  }
0x54: {  	_ =	shalt  }
0x55: {  	_ =	shalt  }
0x56: {  	_ =	shalt  }
0x57: {  	_ =	shalt  }
0x58: {  	_ =	shalt  }
0x59: {  	_ =	shalt  }
0x5a: {  	_ =	shalt  }
0x5b: {  	_ =	shalt  }
0x5c: {  	_ =	shalt  }
0x5d: {  	_ =	shalt  }
0x5e: {  	_ =	shalt  }
0x5f: {  	_ =	shalt  }
0x60: {  	_ =	shalt  }
0x61: {  	_ =	shalt  }
0x62: {  	_ =	shalt  }
0x63: {  	_ =	shalt  }
0x64: {  	_ =	shalt  }
0x65: {  	_ =	shalt  }
0x66: {  	_ =	shalt  }
0x67: {  	_ =	shalt  }
0x68: {  	_ =	shalt  }
0x69: {  	_ =	shalt  }
0x6a: {  	_ =	shalt  }
0x6b: {  	_ =	shalt  }
0x6c: {  	_ =	shalt  }
0x6d: {  	_ =	shalt  }
0x6e: {  	_ =	shalt  }
0x6f: {  	_ =	shalt  }
0x70: {  	_ =	shalt  }
0x71: {  	_ =	shalt  }
0x72: {  	_ =	shalt  }
0x73: {  	_ =	shalt  }
0x74: {  	_ =	shalt  }
0x75: {  	_ =	shalt  }
0x76: {  	_ =	shalt  }
0x77: {  	_ =	shalt  }
0x78: {  	_ =	shalt  }
0x79: {  	_ =	shalt  }
0x7a: {  	_ =	shalt  }
0x7b: {  	_ =	shalt  }
0x7c: {  	_ =	shalt  }
0x7d: {  	_ =	shalt  }
0x7e: {  	_ =	shalt  }
0x7f: {  	_ =	shalt  }
0x80: {  	_ =	shalt  }
0x81: {  	_ =	shalt  }
0x82: {  	_ =	shalt  }
0x83: {  	_ =	shalt  }
0x84: {  	_ =	shalt  }
0x85: {  	_ =	shalt  }
0x86: {  	_ =	shalt  }
0x87: {  	_ =	shalt  }
.Lfunc_end0:
.L_simem_size_0:
called_computation_lowered:
.L_overlay_start_0:
0x88: {  	s2 =	sld [smem:$0x3FD9]  }
0x89: {  	s3 =	sld [smem:$0x3FFE];
	_ =	sdelay $0x1  }
0x8a: {  	s1 =	srdreg.scid  }
0x8b: {  	s0 =	sand.u32 $0x1, s1  }
0x8c: {  	s14 =	sshll.u32 s0, $0xA;
	s2 =	sadd.s32 s3, s2  }
0x8d: {  	s2 =	sadd.s32 s2, s14  }
0x8e: {  	[smem:$0x3FC6] =	sst s2  }
0x8f: {  	_ = 	snop  }
0x90: {  	s2 =	sld [smem:$0x3FD0];
	_ =	sdelay $0x2  }
0x91: {  	s4 =	simm.s32 $0xA;
	s5 =	simm.s32 $0x10;
	s15 =	sld [smem:$0x3FC9]  }
0x92: {  	[smem:s5], [sflag:s4] =	dma.local [hbm:s2], $0x1  }
0x93: {  	_ =	swait.eq [sflag:s4], $0x1  }
0x94: {  	[sflag:s4] =	ssyncset.done $0x0  }
0x95: {  	[sflag:s4] =	ssyncadd.s32 $0xFFFFFFFF  }
0x96: {  	s16 =	sld [smem:$0x10];
	(tm) =	ssettm $0x1  }
0x97: {  	s17 =	sld [smem:$0x3FFB];
	_ =	sdelay $0x3  }
0x98: {  	_ =	strace s17  }
0x99: {  	s4 =	sld [smem:$0x3FFC];
	_ =	sdelay $0x3  }
0x9a: {  	_ =	strace s4  }
0x9b: {  	s4 =	sld [smem:$0x3FFD];
	_ =	sdelay $0x3  }
0x9c: {  	_ =	strace s4  }
0x9d: {  	_ =	strace $0x8FFFFFFF  }
0x9e: {  	s18 =	sld [smem:$0x3FDB];
	_ =	sdelay $0x1  }
0x9f: {  	s19 =	simm.s32 $_scs_section_size  }
0xa0: {  	s6 =	simm.s32 $_size__tile_overlayer_lowered;
	s7 =	simm.s32 $_tile_overlayer_lowered  }
0xa1: {  	s22 =	simm.s32 $0x1BFF;
	s21 =	sshll.u32 s7, $0x1;
	s4 =	sadd.s32 s19, s18  }
0xa2: {  	s8 =	simm.s32 $0x0;
	s20 =	sshll.u32 s6, $0x1;
	s6 =	sadd.s32 s21, s4  }
0xa3: {  	[timem:s8], [sflag:s22] =	dma.local [hbm:s6], s20  }
0xa4: {  	_ =	swait.ge [sflag:s22], s20  }
0xa5: {  	s5 =	ssub.s32 $0x0, s20;
	[sflag:s22] =	ssyncset.done $0x0  }
0xa6: {  	[sflag:s22] =	ssyncadd.s32 s5;
	_ =	sdelay $0x1  }
0xa7: {  	s23 =	simm.s32 $0x1B8B  }
0xa8: {  	_ =	swait.ge [sflag:s23], $0x1  }
0xa9: {  	[sflag:s23] =	ssyncset.done $0x0  }
0xaa: {  	s25 =	simm.s32 $0x1B8E;
	s24 =	sld [smem:$0x3FFE];
	[sflag:s23] =	ssyncadd.s32 $0xFFFFFFFF  }
0xab: {  	s26 =	simm.s32 $execute0_lowered;
	[smem:$0x3FD2] =	sst s25  }
0xac: {  	s6 =	sshll.u32 s26, $0x1;
	_ =	strace $0x80000046;
	[dreg:$0x1] =	wrdreg $0xFFFFFFFF  }
0xad: {  	s28 =	simm.s32 $_size_execute0_lowered;
	s4 =	sadd.s32 s4, s6;
	[dreg:$0x0] =	wrdreg $0x0  }
0xae: {  	s6 =	sshll.u32 s28, $0x1;
	[dreg:$0x2] =	wrdreg s4  }
0xaf: {  	[dreg:$0x3] =	wrdreg s6  }
0xb0: {  	[dreg:$0x4] =	wrdreg $0xC0  }
0xb1: {  	_ =	task [dreg:s8], $0x5FFFF  }
0xb2: {  	[dreg:$0x1] =	wrdreg $0xFFFFFFFF  }
0xb3: {  	[dreg:$0x0] =	wrdreg $0x60  }
0xb4: {  	[dreg:$0x2] =	wrdreg s15  }
0xb5: {  	[dreg:$0x3] =	wrdreg s24  }
0xb6: {  	[dreg:$0x4] =	wrdreg s16  }
0xb7: {  	[dreg:$0x5] =	wrdreg $0x9  }
0xb8: {  	_ =	task.clear_ibuf [dreg:s8], $0x6FFFF;
	_ =	strace $0x90000046  }
0xb9: {  	s29 =	simm.s32 $0x9;
	_ =	strace $0x80000048  }
0xba: {  	_ =	swait.ge [sflag:s29], $0x1  }
0xbb: {  	[sflag:s29] =	ssyncadd.s32 $0xFFFFFFFF  }
0xbc: {  	_ =	strace $0x90000048  }
0xbd: {  	_ =	sfence  }
0xbe: {  	s30 =	sld [smem:$0x0];
	_ =	sdelay $0x2  }
0xbf: {  	s31 =	sshll.u32 s1, $0xD;
	s1 =	sshrl.u32 s1, $0x2  }
0xc0: {  	s3 =	sand.u32 $0x4000, s31;
	s1 =	sadd.s32 s1, s30  }
0xc1: {  	s0 =	sor.u32 s3, s0;
	s1 =	sshll.u32 s1, $0x11  }
0xc2: {  	s0 =	sor.u32 s1, s0  }
0xc3: {  	s0 =	sadd.s32 $0x8F2B, s0  }
0xc4: {  	[sflag:s0] =	ssyncadd.remote.s32 $0x1  }
0xc5: {  	_ =	sfence.sel $0xFFFF  }
0xc6: {  	[dreg:$0x0] =	wrdreg $0xFFFFFFFF;
	(pc) =	sbr.abs _section_cstart, $3  }
0xc7: {  	[dreg:$0x1] =	wrdreg $0xFFFFFFFF  }
0xc8: {  	_ =	task.clear_ibuf [dreg:s8], $0x2FFFF;
	_ =	strace $0x9FFFFFFF  }
0xc9: {  	(tm) =	ssettm $0x7FFFFFFF  }
tec
execute0_lowered:
.L_overlay_start_1:
0x0: {  	(tag) =	ssettag $0x1  }
0x1: {  	s11 =	rddreg [dreg:$0x0]  }
0x2: {  	s3 =	rddreg [dreg:$0x1]  }
0x3: {  	s14 =	rddreg [dreg:$0x2]  }
0x4: {  	s0 =	rddreg [dreg:$0x3];
	s2 =	simm.s32 $0x0;
	s4 =	srdreg.scid  }
0x5: {  	s1 =	stileid.u32;
	s20 =	simm.s32 $0x3;
	s21 =	simm.s32 $0x7D00  }
0x6: {  	s22 =	simm.s32 $0xFB00;
	s23 =	simm.s32 $0x2;
	s24 =	simm.s32 $0x4  }
0x7: {  	[smem:$0x7FF] =	sst s2;
	s4 =	sand.u32 $0x1, s4;
	s9 =	smul.u32 $0x3E800, s1  }
0x8: {  	s12 =	sadd.s32 $0x400, s3;
	s10 =	sshll.u32 s1, $0xB;
	s5 =	ssub.s32 $0x2, s4  }
0x9: {  	_ =	strace $0x80000047;
	s8 =	sshll.u32 s4, $0x9;
	s25 =	sshrl.u32 s5, $0x1  }
0xa: {  	s26 =	sor.u32 s8, s9;
	s4 =	sor.u32 s8, s10;
	s28 =	sor.u32 $0x80, s8  }
0xb: {  	s16 =	sor.u32 $0x100, s8;
	s18 =	sor.u32 $0x180, s8;
	s15 =	ssub.s32 s5, s25  }
0xc: {  	v0 =	vimm.f32 $1.100000020e+00;
	s7 =	sshrl.u32 s26, $0x3;
	s4 =	sshrl.u32 s4, $0x3;
	s6 =	sor.u32 s9, s28  }
0xd: {  	(erf) = vrcp.f32 v0;
	s29 =	sor.u32 s10, s28;
	s17 =	sor.u32 s9, s16;
	s16 =	sor.u32 s10, s16  }
0xe: {  	s19 =	sor.u32 s9, s18;
	s18 =	sor.u32 s10, s18;
	s25 =	simm.s32 $0x5  }
0xf: {  	s26 =	simm.s32 $0x6;
	s3 =	sadd.s32 s11, s7;
	s4 =	sadd.s32 s12, s4  }
0x10: {  	s13 =	sshrl.u32 s6, $0x3;
	s6 =	sshrl.u32 s29, $0x3;
	s7 =	sadd.s32 s14, s7  }
0x11: {  	s17 =	sshrl.u32 s17, $0x3;
	s16 =	sshrl.u32 s16, $0x3;
	s30 =	sshrl.u32 s19, $0x3  }
0x12: {  	s31 =	sshrl.u32 s18, $0x3;
	s15 =	smax.u32 s15, $0x1;
	s18 =	simm.s32 $0xFA00  }
0x13: {  	s19 =	simm.s32 $0x1;
	s5 =	sadd.s32 s11, s13;
	s6 =	sadd.s32 s12, s6  }
0x14: {  	s8 =	sadd.s32 s11, s17;
	s9 =	sadd.s32 s12, s16;
	s10 =	sadd.s32 s14, s13  }
0x15: {  	s11 =	sadd.s32 s11, s30;
	s12 =	sadd.s32 s12, s31;
	s13 =	sadd.s32 s14, s17  }
0x16: {  	s14 =	sadd.s32 s14, s30;
	s16 =	simm.s32 $0x80;
	s17 =	simm.s32 $0x400;
	v0 =	vpop (erf)  }
.LBB2_1:
0x17: {  	[tilespmem:s2], [sflag:$0x1] =	stream.strided.gather [hbm4b:s3+s16], $0x7D00, s17, s16, $0x38;
	[tilespmem:$0xFC00] =	vst v63  }
0x18: {  	_ = 	snop  }
0x19: {  	[tilespmem:s18], [sflag:$0x3] =	stream.strided.gather [hbm4b:s4+s16], $0x100, s17, s16, $0x38;
	[tilespmem:$0xFC00] =	vst v63  }
0x1a: {  	_ =	swait.ge [sflag:s19], $0x7D00  }
0x1b: {  	[sflag:s19] =	ssyncset.done $0x0  }
0x1c: {  	[sflag:s19] =	ssyncadd.s32 $0xFFFF8300  }
0x1d: {  	_ =	swait.ge [sflag:s20], $0x100  }
0x1e: {  	[sflag:s20] =	ssyncset.done $0x0  }
0x1f: {  	[sflag:s20] =	ssyncadd.s32 $0xFFFFFF00  }
0x20: {  	[tilespmem:s21], [sflag:$0x2] =	stream.strided.gather [hbm4b:s5+s16], $0x7D00, s17, s16, $0x38;
	[tilespmem:$0xFC00] =	vst v63  }
0x21: {  	_ = 	snop  }
0x22: {  	[tilespmem:s22], [sflag:$0x4] =	stream.strided.gather [hbm4b:s6+s16], $0x100, s17, s16, $0x38;
	[tilespmem:$0xFC00] =	vst v63  }
0x23: {  	v1 =	vld [tilespmem:$0xFA00]  }
0x24: {  	v2 =	vld [tilespmem:$0xFA10]  }
0x25: {  	v3 =	vld [tilespmem:$0xFA20]  }
0x26: {  	v4 =	vld [tilespmem:$0xFA30]  }
0x27: {  	v5 =	vld [tilespmem:$0xFA40]  }
0x28: {  	v6 =	vld [tilespmem:$0xFA50]  }
0x29: {  	v7 =	vld [tilespmem:$0xFA60]  }
0x2a: {  	v8 =	vld [tilespmem:$0xFA70]  }
0x2b: {  	v17 =	vld [tilespmem:$0xFA80]  }
0x2c: {  	v18 =	vld [tilespmem:$0xFA90]  }
0x2d: {  	v19 =	vld [tilespmem:$0xFAA0]  }
0x2e: {  	v20 =	vld [tilespmem:$0xFAB0]  }
0x2f: {  	v21 =	vld [tilespmem:$0xFAC0]  }
0x30: {  	v22 =	vld [tilespmem:$0xFAD0]  }
0x31: {  	v23 =	vld [tilespmem:$0xFAE0]  }
0x32: {  	v24 =	vld [tilespmem:$0xFAF0]  }
0x33: {  	v9 =	vld.idx.msk [tilespmem:v1+s2+$0x0], $0xffff  }
0x34: {  	v10 =	vld.idx.msk [tilespmem:v2+s2+$0x0], $0xffff  }
0x35: {  	v11 =	vld.idx.msk [tilespmem:v3+s2+$0x0], $0xffff  }
0x36: {  	v12 =	vld.idx.msk [tilespmem:v4+s2+$0x0], $0xffff  }
0x37: {  	v13 =	vld.idx.msk [tilespmem:v5+s2+$0x0], $0xffff  }
0x38: {  	v14 =	vld.idx.msk [tilespmem:v6+s2+$0x0], $0xffff  }
0x39: {  	v15 =	vld.idx.msk [tilespmem:v7+s2+$0x0], $0xffff  }
0x3a: {  	v16 =	vld.idx.msk [tilespmem:v8+s2+$0x0], $0xffff  }
0x3b: {  	v25 =	vld.idx.msk [tilespmem:v17+s2+$0x0], $0xffff  }
0x3c: {  	v26 =	vld.idx.msk [tilespmem:v18+s2+$0x0], $0xffff  }
0x3d: {  	v27 =	vld.idx.msk [tilespmem:v19+s2+$0x0], $0xffff  }
0x3e: {  	v28 =	vld.idx.msk [tilespmem:v20+s2+$0x0], $0xffff;
	vm0 =	vgt.f32 v9, $0.0e+00  }
0x3f: {  	v29 =	vld.idx.msk [tilespmem:v21+s2+$0x0], $0xffff;
	vm13 =	vgt.f32 v10, $0.0e+00;
	v30 =	vnsel vm0, $0x3F8CCCCD, v0  }
0x40: {  	v31 =	vld.idx.msk [tilespmem:v22+s2+$0x0], $0xffff;
	vm14 =	vgt.f32 v11, $0.0e+00;
	v61 =	vnsel vm13, $0x3F8CCCCD, v0;
	v9 =	vmul.f32 v30, v9  }
0x41: {  	v32 =	vld.idx.msk [tilespmem:v23+s2+$0x0], $0xffff;
	vm15 =	vgt.f32 v12, $0.0e+00;
	v62 =	vnsel vm14, $0x3F8CCCCD, v0;
	v10 =	vmul.f32 v61, v10  }
0x42: {  	v33 =	vld.idx.msk [tilespmem:v24+s2+$0x0], $0xffff;
	vm4 =	vgt.f32 v13, $0.0e+00;
	v63 =	vnsel vm15, $0x3F8CCCCD, v0;
	v11 =	vmul.f32 v62, v11;
	[tilespmem:v1+s2+$0x0] =	vst.idx.msk $0xffff, v9  }
0x43: {  	vm5 =	vgt.f32 v14, $0.0e+00;
	v1 =	vmul.f32 v63, v12;
	v12 =	vnsel vm4, $0x3F8CCCCD, v0;
	[tilespmem:v2+s2+$0x0] =	vst.idx.msk $0xffff, v10  }
0x44: {  	vm6 =	vgt.f32 v15, $0.0e+00;
	v2 =	vmul.f32 v12, v13;
	v13 =	vnsel vm5, $0x3F8CCCCD, v0;
	[tilespmem:v3+s2+$0x0] =	vst.idx.msk $0xffff, v11  }
0x45: {  	vm7 =	vgt.f32 v16, $0.0e+00;
	v3 =	vmul.f32 v13, v14;
	v14 =	vnsel vm6, $0x3F8CCCCD, v0;
	[tilespmem:v4+s2+$0x0] =	vst.idx.msk $0xffff, v1  }
0x46: {  	vm8 =	vgt.f32 v25, $0.0e+00;
	v1 =	vmul.f32 v14, v15;
	v15 =	vnsel vm7, $0x3F8CCCCD, v0;
	[tilespmem:v5+s2+$0x0] =	vst.idx.msk $0xffff, v2  }
0x47: {  	vm9 =	vgt.f32 v26, $0.0e+00;
	v2 =	vmul.f32 v15, v16;
	v16 =	vnsel vm8, $0x3F8CCCCD, v0;
	[tilespmem:v6+s2+$0x0] =	vst.idx.msk $0xffff, v3  }
0x48: {  	vm10 =	vgt.f32 v27, $0.0e+00;
	v3 =	vmul.f32 v16, v25;
	v25 =	vnsel vm9, $0x3F8CCCCD, v0;
	[tilespmem:v7+s2+$0x0] =	vst.idx.msk $0xffff, v1  }
0x49: {  	vm11 =	vgt.f32 v28, $0.0e+00;
	v1 =	vmul.f32 v25, v26;
	v26 =	vnsel vm10, $0x3F8CCCCD, v0;
	[tilespmem:v8+s2+$0x0] =	vst.idx.msk $0xffff, v2  }
0x4a: {  	vm12 =	vgt.f32 v29, $0.0e+00;
	v2 =	vmul.f32 v26, v27;
	v27 =	vnsel vm11, $0x3F8CCCCD, v0;
	[tilespmem:v17+s2+$0x0] =	vst.idx.msk $0xffff, v3  }
0x4b: {  	vm13 =	vgt.f32 v31, $0.0e+00;
	v3 =	vmul.f32 v27, v28;
	v28 =	vnsel vm12, $0x3F8CCCCD, v0;
	[tilespmem:v18+s2+$0x0] =	vst.idx.msk $0xffff, v1  }
0x4c: {  	vm14 =	vgt.f32 v32, $0.0e+00;
	v30 =	vnsel vm13, $0x3F8CCCCD, v0;
	v1 =	vmul.f32 v28, v29;
	[tilespmem:v19+s2+$0x0] =	vst.idx.msk $0xffff, v2  }
0x4d: {  	vm15 =	vgt.f32 v33, $0.0e+00;
	v34 =	vnsel vm14, $0x3F8CCCCD, v0;
	v2 =	vmul.f32 v30, v31;
	[tilespmem:v20+s2+$0x0] =	vst.idx.msk $0xffff, v3  }
0x4e: {  	v35 =	vnsel vm15, $0x3F8CCCCD, v0;
	v3 =	vmul.f32 v34, v32;
	[tilespmem:v21+s2+$0x0] =	vst.idx.msk $0xffff, v1  }
0x4f: {  	v1 =	vmul.f32 v35, v33;
	[tilespmem:v22+s2+$0x0] =	vst.idx.msk $0xffff, v2  }
0x50: {  	[tilespmem:v23+s2+$0x0] =	vst.idx.msk $0xffff, v3  }
0x51: {  	[tilespmem:v24+s2+$0x0] =	vst.idx.msk $0xffff, v1  }
0x52: {  	[hbm4b:s7+s16] =	stream.strided.scatter [tilespmem:s2], [sflag:$0x5], $0x7D00, s17, s16, $0x38;
	[tilespmem:$0xFC00] =	vst v63  }
0x53: {  	_ =	swait.ge [sflag:s23], $0x7D00  }
0x54: {  	[sflag:s23] =	ssyncset.done $0x0  }
0x55: {  	[sflag:s23] =	ssyncadd.s32 $0xFFFF8300  }
0x56: {  	_ =	swait.ge [sflag:s24], $0x100  }
0x57: {  	[sflag:s24] =	ssyncset.done $0x0  }
0x58: {  	[sflag:s24] =	ssyncadd.s32 $0xFFFFFF00  }
0x59: {  	_ =	swait.ge [sflag:s25], $0x7D00  }
0x5a: {  	[sflag:s25] =	ssyncset.done $0x0  }
0x5b: {  	[sflag:s25] =	ssyncadd.s32 $0xFFFF8300  }
0x5c: {  	[tilespmem:s2], [sflag:$0x1] =	stream.strided.gather [hbm4b:s8+s16], $0x7D00, s17, s16, $0x38;
	[tilespmem:$0xFC00] =	vst v63  }
0x5d: {  	_ = 	snop  }
0x5e: {  	[tilespmem:s18], [sflag:$0x3] =	stream.strided.gather [hbm4b:s9+s16], $0x100, s17, s16, $0x38;
	[tilespmem:$0xFC00] =	vst v63  }
0x5f: {  	v1 =	vld [tilespmem:$0xFB00]  }
0x60: {  	v2 =	vld [tilespmem:$0xFB10]  }
0x61: {  	v3 =	vld [tilespmem:$0xFB20]  }
0x62: {  	v4 =	vld [tilespmem:$0xFB30]  }
0x63: {  	v5 =	vld [tilespmem:$0xFB40]  }
0x64: {  	v6 =	vld [tilespmem:$0xFB50]  }
0x65: {  	v7 =	vld [tilespmem:$0xFB60]  }
0x66: {  	v8 =	vld [tilespmem:$0xFB70]  }
0x67: {  	v44 =	vld [tilespmem:$0xFB80]  }
0x68: {  	v45 =	vld [tilespmem:$0xFB90]  }
0x69: {  	v46 =	vld [tilespmem:$0xFBA0]  }
0x6a: {  	v47 =	vld [tilespmem:$0xFBB0]  }
0x6b: {  	v48 =	vld [tilespmem:$0xFBC0]  }
0x6c: {  	v49 =	vld [tilespmem:$0xFBD0]  }
0x6d: {  	v50 =	vld [tilespmem:$0xFBE0]  }
0x6e: {  	v51 =	vld [tilespmem:$0xFBF0]  }
0x6f: {  	v36 =	vld.idx.msk [tilespmem:v1+s21+$0x0], $0xffff  }
0x70: {  	v37 =	vld.idx.msk [tilespmem:v2+s21+$0x0], $0xffff  }
0x71: {  	v38 =	vld.idx.msk [tilespmem:v3+s21+$0x0], $0xffff  }
0x72: {  	v39 =	vld.idx.msk [tilespmem:v4+s21+$0x0], $0xffff  }
0x73: {  	v40 =	vld.idx.msk [tilespmem:v5+s21+$0x0], $0xffff  }
0x74: {  	v41 =	vld.idx.msk [tilespmem:v6+s21+$0x0], $0xffff  }
0x75: {  	v42 =	vld.idx.msk [tilespmem:v7+s21+$0x0], $0xffff  }
0x76: {  	v43 =	vld.idx.msk [tilespmem:v8+s21+$0x0], $0xffff  }
0x77: {  	v52 =	vld.idx.msk [tilespmem:v44+s21+$0x0], $0xffff  }
0x78: {  	v53 =	vld.idx.msk [tilespmem:v45+s21+$0x0], $0xffff  }
0x79: {  	v54 =	vld.idx.msk [tilespmem:v46+s21+$0x0], $0xffff  }
0x7a: {  	v55 =	vld.idx.msk [tilespmem:v47+s21+$0x0], $0xffff;
	vm4 =	vgt.f32 v36, $0.0e+00  }
0x7b: {  	v56 =	vld.idx.msk [tilespmem:v48+s21+$0x0], $0xffff;
	vm5 =	vgt.f32 v37, $0.0e+00;
	v57 =	vnsel vm4, $0x3F8CCCCD, v0  }
0x7c: {  	v58 =	vld.idx.msk [tilespmem:v49+s21+$0x0], $0xffff;
	vm6 =	vgt.f32 v38, $0.0e+00;
	v59 =	vnsel vm5, $0x3F8CCCCD, v0;
	v9 =	vmul.f32 v57, v36  }
0x7d: {  	v60 =	vld.idx.msk [tilespmem:v50+s21+$0x0], $0xffff;
	vm7 =	vgt.f32 v39, $0.0e+00;
	v61 =	vnsel vm6, $0x3F8CCCCD, v0;
	v10 =	vmul.f32 v59, v37  }
0x7e: {  	v62 =	vld.idx.msk [tilespmem:v51+s21+$0x0], $0xffff;
	vm8 =	vgt.f32 v40, $0.0e+00;
	v63 =	vnsel vm7, $0x3F8CCCCD, v0;
	v11 =	vmul.f32 v61, v38;
	[tilespmem:v1+s21+$0x0] =	vst.idx.msk $0xffff, v9  }
0x7f: {  	vm9 =	vgt.f32 v41, $0.0e+00;
	v12 =	vnsel vm8, $0x3F8CCCCD, v0;
	v1 =	vmul.f32 v63, v39;
	[tilespmem:v2+s21+$0x0] =	vst.idx.msk $0xffff, v10  }
0x80: {  	vm10 =	vgt.f32 v42, $0.0e+00;
	v13 =	vnsel vm9, $0x3F8CCCCD, v0;
	v2 =	vmul.f32 v12, v40;
	[tilespmem:v3+s21+$0x0] =	vst.idx.msk $0xffff, v11  }
0x81: {  	vm11 =	vgt.f32 v43, $0.0e+00;
	v14 =	vnsel vm10, $0x3F8CCCCD, v0;
	v3 =	vmul.f32 v13, v41;
	[tilespmem:v4+s21+$0x0] =	vst.idx.msk $0xffff, v1  }
0x82: {  	vm12 =	vgt.f32 v52, $0.0e+00;
	v15 =	vnsel vm11, $0x3F8CCCCD, v0;
	v1 =	vmul.f32 v14, v42;
	[tilespmem:v5+s21+$0x0] =	vst.idx.msk $0xffff, v2  }
0x83: {  	vm13 =	vgt.f32 v53, $0.0e+00;
	v16 =	vnsel vm12, $0x3F8CCCCD, v0;
	v2 =	vmul.f32 v15, v43;
	[tilespmem:v6+s21+$0x0] =	vst.idx.msk $0xffff, v3  }
0x84: {  	vm14 =	vgt.f32 v54, $0.0e+00;
	v30 =	vnsel vm13, $0x3F8CCCCD, v0;
	v3 =	vmul.f32 v16, v52;
	[tilespmem:v7+s21+$0x0] =	vst.idx.msk $0xffff, v1  }
0x85: {  	vm15 =	vgt.f32 v55, $0.0e+00;
	v34 =	vnsel vm14, $0x3F8CCCCD, v0;
	v1 =	vmul.f32 v30, v53;
	[tilespmem:v8+s21+$0x0] =	vst.idx.msk $0xffff, v2  }
0x86: {  	v35 =	vnsel vm15, $0x3F8CCCCD, v0;
	vm4 =	vgt.f32 v56, $0.0e+00;
	v2 =	vmul.f32 v34, v54;
	[tilespmem:v44+s21+$0x0] =	vst.idx.msk $0xffff, v3  }
0x87: {  	vm5 =	vgt.f32 v58, $0.0e+00;
	v36 =	vnsel vm4, $0x3F8CCCCD, v0;
	v3 =	vmul.f32 v35, v55;
	[tilespmem:v45+s21+$0x0] =	vst.idx.msk $0xffff, v1  }
0x88: {  	vm6 =	vgt.f32 v60, $0.0e+00;
	v37 =	vnsel vm5, $0x3F8CCCCD, v0;
	v1 =	vmul.f32 v36, v56;
	[tilespmem:v46+s21+$0x0] =	vst.idx.msk $0xffff, v2  }
0x89: {  	vm7 =	vgt.f32 v62, $0.0e+00;
	v38 =	vnsel vm6, $0x3F8CCCCD, v0;
	v2 =	vmul.f32 v37, v58;
	[tilespmem:v47+s21+$0x0] =	vst.idx.msk $0xffff, v3  }
0x8a: {  	v39 =	vnsel vm7, $0x3F8CCCCD, v0;
	v3 =	vmul.f32 v38, v60;
	[tilespmem:v48+s21+$0x0] =	vst.idx.msk $0xffff, v1  }
0x8b: {  	v1 =	vmul.f32 v39, v62;
	[tilespmem:v49+s21+$0x0] =	vst.idx.msk $0xffff, v2  }
0x8c: {  	[tilespmem:v50+s21+$0x0] =	vst.idx.msk $0xffff, v3  }
0x8d: {  	[tilespmem:v51+s21+$0x0] =	vst.idx.msk $0xffff, v1  }
0x8e: {  	[hbm4b:s10+s16] =	stream.strided.scatter [tilespmem:s21], [sflag:$0x6], $0x7D00, s17, s16, $0x38;
	[tilespmem:$0xFC00] =	vst v63  }
0x8f: {  	_ =	swait.ge [sflag:s19], $0x7D00  }
0x90: {  	[sflag:s19] =	ssyncset.done $0x0  }
0x91: {  	[sflag:s19] =	ssyncadd.s32 $0xFFFF8300  }
0x92: {  	_ =	swait.ge [sflag:s20], $0x100  }
0x93: {  	[sflag:s20] =	ssyncset.done $0x0  }
0x94: {  	[sflag:s20] =	ssyncadd.s32 $0xFFFFFF00  }
0x95: {  	_ =	swait.ge [sflag:s26], $0x7D00  }
0x96: {  	[sflag:s26] =	ssyncset.done $0x0  }
0x97: {  	[sflag:s26] =	ssyncadd.s32 $0xFFFF8300  }
0x98: {  	[tilespmem:s21], [sflag:$0x2] =	stream.strided.gather [hbm4b:s11+s16], $0x7D00, s17, s16, $0x38;
	[tilespmem:$0xFC00] =	vst v63  }
0x99: {  	_ = 	snop  }
0x9a: {  	[tilespmem:s22], [sflag:$0x4] =	stream.strided.gather [hbm4b:s12+s16], $0x100, s17, s16, $0x38;
	[tilespmem:$0xFC00] =	vst v63  }
0x9b: {  	v1 =	vld [tilespmem:$0xFA00]  }
0x9c: {  	v2 =	vld [tilespmem:$0xFA10]  }
0x9d: {  	v3 =	vld [tilespmem:$0xFA20]  }
0x9e: {  	v4 =	vld [tilespmem:$0xFA30]  }
0x9f: {  	v5 =	vld [tilespmem:$0xFA40]  }
0xa0: {  	v6 =	vld [tilespmem:$0xFA50]  }
0xa1: {  	v7 =	vld [tilespmem:$0xFA60]  }
0xa2: {  	v8 =	vld [tilespmem:$0xFA70]  }
0xa3: {  	v48 =	vld [tilespmem:$0xFA80]  }
0xa4: {  	v49 =	vld [tilespmem:$0xFA90]  }
0xa5: {  	v50 =	vld [tilespmem:$0xFAA0]  }
0xa6: {  	v51 =	vld [tilespmem:$0xFAB0]  }
0xa7: {  	v52 =	vld [tilespmem:$0xFAC0]  }
0xa8: {  	v53 =	vld [tilespmem:$0xFAD0]  }
0xa9: {  	v54 =	vld [tilespmem:$0xFAE0]  }
0xaa: {  	v55 =	vld [tilespmem:$0xFAF0]  }
0xab: {  	v40 =	vld.idx.msk [tilespmem:v1+s2+$0x0], $0xffff  }
0xac: {  	v41 =	vld.idx.msk [tilespmem:v2+s2+$0x0], $0xffff  }
0xad: {  	v42 =	vld.idx.msk [tilespmem:v3+s2+$0x0], $0xffff  }
0xae: {  	v43 =	vld.idx.msk [tilespmem:v4+s2+$0x0], $0xffff  }
0xaf: {  	v44 =	vld.idx.msk [tilespmem:v5+s2+$0x0], $0xffff  }
0xb0: {  	v45 =	vld.idx.msk [tilespmem:v6+s2+$0x0], $0xffff  }
0xb1: {  	v46 =	vld.idx.msk [tilespmem:v7+s2+$0x0], $0xffff  }
0xb2: {  	v47 =	vld.idx.msk [tilespmem:v8+s2+$0x0], $0xffff  }
0xb3: {  	v56 =	vld.idx.msk [tilespmem:v48+s2+$0x0], $0xffff  }
0xb4: {  	v57 =	vld.idx.msk [tilespmem:v49+s2+$0x0], $0xffff  }
0xb5: {  	v58 =	vld.idx.msk [tilespmem:v50+s2+$0x0], $0xffff  }
0xb6: {  	v59 =	vld.idx.msk [tilespmem:v51+s2+$0x0], $0xffff;
	vm8 =	vgt.f32 v40, $0.0e+00  }
0xb7: {  	v60 =	vld.idx.msk [tilespmem:v52+s2+$0x0], $0xffff;
	vm9 =	vgt.f32 v41, $0.0e+00;
	v61 =	vnsel vm8, $0x3F8CCCCD, v0  }
0xb8: {  	v62 =	vld.idx.msk [tilespmem:v53+s2+$0x0], $0xffff;
	vm10 =	vgt.f32 v42, $0.0e+00;
	v63 =	vnsel vm9, $0x3F8CCCCD, v0;
	v9 =	vmul.f32 v61, v40  }
0xb9: {  	v36 =	vld.idx.msk [tilespmem:v54+s2+$0x0], $0xffff;
	vm11 =	vgt.f32 v43, $0.0e+00;
	v37 =	vnsel vm10, $0x3F8CCCCD, v0;
	v10 =	vmul.f32 v63, v41  }
0xba: {  	v38 =	vld.idx.msk [tilespmem:v55+s2+$0x0], $0xffff;
	vm12 =	vgt.f32 v44, $0.0e+00;
	v39 =	vnsel vm11, $0x3F8CCCCD, v0;
	v11 =	vmul.f32 v37, v42;
	[tilespmem:v1+s2+$0x0] =	vst.idx.msk $0xffff, v9  }
0xbb: {  	vm13 =	vgt.f32 v45, $0.0e+00;
	v40 =	vnsel vm12, $0x3F8CCCCD, v0;
	v1 =	vmul.f32 v39, v43;
	[tilespmem:v2+s2+$0x0] =	vst.idx.msk $0xffff, v10  }
0xbc: {  	vm14 =	vgt.f32 v46, $0.0e+00;
	v41 =	vnsel vm13, $0x3F8CCCCD, v0;
	v2 =	vmul.f32 v40, v44;
	[tilespmem:v3+s2+$0x0] =	vst.idx.msk $0xffff, v11  }
0xbd: {  	vm15 =	vgt.f32 v47, $0.0e+00;
	v42 =	vnsel vm14, $0x3F8CCCCD, v0;
	v3 =	vmul.f32 v41, v45;
	[tilespmem:v4+s2+$0x0] =	vst.idx.msk $0xffff, v1  }
0xbe: {  	vm4 =	vgt.f32 v56, $0.0e+00;
	v43 =	vnsel vm15, $0x3F8CCCCD, v0;
	v1 =	vmul.f32 v42, v46;
	[tilespmem:v5+s2+$0x0] =	vst.idx.msk $0xffff, v2  }
0xbf: {  	vm5 =	vgt.f32 v57, $0.0e+00;
	v44 =	vnsel vm4, $0x3F8CCCCD, v0;
	v2 =	vmul.f32 v43, v47;
	[tilespmem:v6+s2+$0x0] =	vst.idx.msk $0xffff, v3  }
0xc0: {  	vm6 =	vgt.f32 v58, $0.0e+00;
	v45 =	vnsel vm5, $0x3F8CCCCD, v0;
	v3 =	vmul.f32 v44, v56;
	[tilespmem:v7+s2+$0x0] =	vst.idx.msk $0xffff, v1  }
0xc1: {  	vm7 =	vgt.f32 v59, $0.0e+00;
	v46 =	vnsel vm6, $0x3F8CCCCD, v0;
	v1 =	vmul.f32 v45, v57;
	[tilespmem:v8+s2+$0x0] =	vst.idx.msk $0xffff, v2  }
0xc2: {  	vm8 =	vgt.f32 v60, $0.0e+00;
	v47 =	vnsel vm7, $0x3F8CCCCD, v0;
	v2 =	vmul.f32 v46, v58;
	[tilespmem:v48+s2+$0x0] =	vst.idx.msk $0xffff, v3  }
0xc3: {  	vm9 =	vgt.f32 v62, $0.0e+00;
	v3 =	vmul.f32 v47, v59;
	v48 =	vnsel vm8, $0x3F8CCCCD, v0;
	[tilespmem:v49+s2+$0x0] =	vst.idx.msk $0xffff, v1  }
0xc4: {  	vm10 =	vgt.f32 v36, $0.0e+00;
	v1 =	vmul.f32 v48, v60;
	v49 =	vnsel vm9, $0x3F8CCCCD, v0;
	[tilespmem:v50+s2+$0x0] =	vst.idx.msk $0xffff, v2  }
0xc5: {  	vm11 =	vgt.f32 v38, $0.0e+00;
	v2 =	vmul.f32 v49, v62;
	v50 =	vnsel vm10, $0x3F8CCCCD, v0;
	[tilespmem:v51+s2+$0x0] =	vst.idx.msk $0xffff, v3  }
0xc6: {  	v3 =	vmul.f32 v50, v36;
	v51 =	vnsel vm11, $0x3F8CCCCD, v0;
	[tilespmem:v52+s2+$0x0] =	vst.idx.msk $0xffff, v1  }
0xc7: {  	v1 =	vmul.f32 v51, v38;
	[tilespmem:v53+s2+$0x0] =	vst.idx.msk $0xffff, v2  }
0xc8: {  	[tilespmem:v54+s2+$0x0] =	vst.idx.msk $0xffff, v3  }
0xc9: {  	[tilespmem:v55+s2+$0x0] =	vst.idx.msk $0xffff, v1  }
0xca: {  	[hbm4b:s13+s16] =	stream.strided.scatter [tilespmem:s2], [sflag:$0x5], $0x7D00, s17, s16, $0x38;
	[tilespmem:$0xFC00] =	vst v63  }
0xcb: {  	_ =	swait.ge [sflag:s23], $0x7D00  }
0xcc: {  	[sflag:s23] =	ssyncset.done $0x0  }
0xcd: {  	[sflag:s23] =	ssyncadd.s32 $0xFFFF8300  }
0xce: {  	_ =	swait.ge [sflag:s24], $0x100  }
0xcf: {  	[sflag:s24] =	ssyncset.done $0x0  }
0xd0: {  	[sflag:s24] =	ssyncadd.s32 $0xFFFFFF00  }
0xd1: {  	v1 =	vld [tilespmem:$0xFB00]  }
0xd2: {  	v2 =	vld [tilespmem:$0xFB10]  }
0xd3: {  	v3 =	vld [tilespmem:$0xFB20]  }
0xd4: {  	v4 =	vld [tilespmem:$0xFB30]  }
0xd5: {  	v5 =	vld [tilespmem:$0xFB40]  }
0xd6: {  	v6 =	vld [tilespmem:$0xFB50]  }
0xd7: {  	v7 =	vld [tilespmem:$0xFB60]  }
0xd8: {  	v8 =	vld [tilespmem:$0xFB70]  }
0xd9: {  	v60 =	vld [tilespmem:$0xFB80]  }
0xda: {  	v61 =	vld [tilespmem:$0xFB90]  }
0xdb: {  	v62 =	vld [tilespmem:$0xFBA0]  }
0xdc: {  	v63 =	vld [tilespmem:$0xFBB0]  }
0xdd: {  	v36 =	vld [tilespmem:$0xFBC0]  }
0xde: {  	v37 =	vld [tilespmem:$0xFBD0]  }
0xdf: {  	v38 =	vld [tilespmem:$0xFBE0]  }
0xe0: {  	v39 =	vld [tilespmem:$0xFBF0]  }
0xe1: {  	v52 =	vld.idx.msk [tilespmem:v1+s21+$0x0], $0xffff  }
0xe2: {  	v53 =	vld.idx.msk [tilespmem:v2+s21+$0x0], $0xffff  }
0xe3: {  	v54 =	vld.idx.msk [tilespmem:v3+s21+$0x0], $0xffff  }
0xe4: {  	v55 =	vld.idx.msk [tilespmem:v4+s21+$0x0], $0xffff  }
0xe5: {  	v56 =	vld.idx.msk [tilespmem:v5+s21+$0x0], $0xffff  }
0xe6: {  	v57 =	vld.idx.msk [tilespmem:v6+s21+$0x0], $0xffff  }
0xe7: {  	v58 =	vld.idx.msk [tilespmem:v7+s21+$0x0], $0xffff  }
0xe8: {  	v59 =	vld.idx.msk [tilespmem:v8+s21+$0x0], $0xffff  }
0xe9: {  	v40 =	vld.idx.msk [tilespmem:v60+s21+$0x0], $0xffff  }
0xea: {  	v41 =	vld.idx.msk [tilespmem:v61+s21+$0x0], $0xffff  }
0xeb: {  	v42 =	vld.idx.msk [tilespmem:v62+s21+$0x0], $0xffff  }
0xec: {  	v43 =	vld.idx.msk [tilespmem:v63+s21+$0x0], $0xffff;
	vm12 =	vgt.f32 v52, $0.0e+00  }
0xed: {  	v44 =	vld.idx.msk [tilespmem:v36+s21+$0x0], $0xffff;
	vm13 =	vgt.f32 v53, $0.0e+00;
	v45 =	vnsel vm12, $0x3F8CCCCD, v0  }
0xee: {  	v46 =	vld.idx.msk [tilespmem:v37+s21+$0x0], $0xffff;
	vm14 =	vgt.f32 v54, $0.0e+00;
	v47 =	vnsel vm13, $0x3F8CCCCD, v0;
	v9 =	vmul.f32 v45, v52  }
0xef: {  	v48 =	vld.idx.msk [tilespmem:v38+s21+$0x0], $0xffff;
	vm15 =	vgt.f32 v55, $0.0e+00;
	v49 =	vnsel vm14, $0x3F8CCCCD, v0;
	v10 =	vmul.f32 v47, v53  }
0xf0: {  	v50 =	vld.idx.msk [tilespmem:v39+s21+$0x0], $0xffff;
	vm4 =	vgt.f32 v56, $0.0e+00;
	v51 =	vnsel vm15, $0x3F8CCCCD, v0;
	v11 =	vmul.f32 v49, v54;
	[tilespmem:v1+s21+$0x0] =	vst.idx.msk $0xffff, v9  }
0xf1: {  	vm5 =	vgt.f32 v57, $0.0e+00;
	v52 =	vnsel vm4, $0x3F8CCCCD, v0;
	v1 =	vmul.f32 v51, v55;
	[tilespmem:v2+s21+$0x0] =	vst.idx.msk $0xffff, v10  }
0xf2: {  	vm6 =	vgt.f32 v58, $0.0e+00;
	v53 =	vnsel vm5, $0x3F8CCCCD, v0;
	v2 =	vmul.f32 v52, v56;
	[tilespmem:v3+s21+$0x0] =	vst.idx.msk $0xffff, v11  }
0xf3: {  	vm7 =	vgt.f32 v59, $0.0e+00;
	v54 =	vnsel vm6, $0x3F8CCCCD, v0;
	v3 =	vmul.f32 v53, v57;
	[tilespmem:v4+s21+$0x0] =	vst.idx.msk $0xffff, v1  }
0xf4: {  	vm8 =	vgt.f32 v40, $0.0e+00;
	v55 =	vnsel vm7, $0x3F8CCCCD, v0;
	v1 =	vmul.f32 v54, v58;
	[tilespmem:v5+s21+$0x0] =	vst.idx.msk $0xffff, v2  }
0xf5: {  	vm9 =	vgt.f32 v41, $0.0e+00;
	v56 =	vnsel vm8, $0x3F8CCCCD, v0;
	v2 =	vmul.f32 v55, v59;
	[tilespmem:v6+s21+$0x0] =	vst.idx.msk $0xffff, v3  }
0xf6: {  	vm10 =	vgt.f32 v42, $0.0e+00;
	v57 =	vnsel vm9, $0x3F8CCCCD, v0;
	v3 =	vmul.f32 v56, v40;
	[tilespmem:v7+s21+$0x0] =	vst.idx.msk $0xffff, v1  }
0xf7: {  	vm11 =	vgt.f32 v43, $0.0e+00;
	v58 =	vnsel vm10, $0x3F8CCCCD, v0;
	v1 =	vmul.f32 v57, v41;
	[tilespmem:v8+s21+$0x0] =	vst.idx.msk $0xffff, v2  }
0xf8: {  	vm12 =	vgt.f32 v44, $0.0e+00;
	v59 =	vnsel vm11, $0x3F8CCCCD, v0;
	v2 =	vmul.f32 v58, v42;
	[tilespmem:v60+s21+$0x0] =	vst.idx.msk $0xffff, v3  }
0xf9: {  	vm13 =	vgt.f32 v46, $0.0e+00;
	v3 =	vmul.f32 v59, v43;
	v60 =	vnsel vm12, $0x3F8CCCCD, v0;
	[tilespmem:v61+s21+$0x0] =	vst.idx.msk $0xffff, v1  }
0xfa: {  	vm14 =	vgt.f32 v48, $0.0e+00;
	v1 =	vmul.f32 v60, v44;
	v61 =	vnsel vm13, $0x3F8CCCCD, v0;
	[tilespmem:v62+s21+$0x0] =	vst.idx.msk $0xffff, v2  }
0xfb: {  	vm15 =	vgt.f32 v50, $0.0e+00;
	v2 =	vmul.f32 v61, v46;
	v62 =	vnsel vm14, $0x3F8CCCCD, v0;
	[tilespmem:v63+s21+$0x0] =	vst.idx.msk $0xffff, v3  }
0xfc: {  	v3 =	vmul.f32 v62, v48;
	v63 =	vnsel vm15, $0x3F8CCCCD, v0;
	[tilespmem:v36+s21+$0x0] =	vst.idx.msk $0xffff, v1  }
0xfd: {  	v1 =	vmul.f32 v63, v50;
	[tilespmem:v37+s21+$0x0] =	vst.idx.msk $0xffff, v2  }
0xfe: {  	[tilespmem:v38+s21+$0x0] =	vst.idx.msk $0xffff, v3  }
0xff: {  	[tilespmem:v39+s21+$0x0] =	vst.idx.msk $0xffff, v1  }
0x100: {  	[hbm4b:s14+s16] =	stream.strided.scatter [tilespmem:s21], [sflag:$0x6], $0x7D00, s17, s16, $0x38;
	[tilespmem:$0xFC00] =	vst v63  }
0x101: {  	p0 =	sne.s32 s15, $0x1;
	_ =	swait.ge [sflag:s25], $0x7D00  }
.Ltmp0:
0x102: {  	[sflag:s25] =	ssyncset.done $0x0;
	(pc) =	sbr.rel @p0 .LBB2_1-.Ltmp0, $4  }
0x103: {  	[sflag:s25] =	ssyncadd.s32 $0xFFFF8300  }
0x104: {  	_ =	swait.ge [sflag:s26], $0x7D00  }
0x105: {  	[sflag:s26] =	ssyncset.done $0x0  }
0x106: {  	s15 =	sadd.s32 $0xFFFFFFFF, s15;
	[sflag:s26] =	ssyncadd.s32 $0xFFFF8300  }
0x107: {  	_ =	sfence.sel $0x180000  }
0x108: {  	[bflag:$0x0] =	sbarrier.arrive $0xFFFF  }
0x109: {  	p0 =	sne.s32 s1, $0x0;
	_ =	strace $0x90000047  }
0x10a: {  	s0 =	sadd.s32 @!p0 $0x100000, s0;
	[bflag:$0x2] =	sbarrier.arrive $0xFFFF  }
0x10b: {  	[sflag:s0] =	ssyncadd.tile.s32 @!p0 $0x1;
	_ =	shalt  }
.Lfunc_end2:
_tile_overlayer_lowered:
.L_overlay_start_2:
0x10c: {  	(tag) =	ssettag $0x2  }
0x10d: {  	s0 =	rddreg [dreg:$0x0];
	s2 =	stileid.u32  }
0x10e: {  	s1 =	rddreg [dreg:$0x1];
	p0 =	sne.s32 s2, $0x0  }
0x10f: {  	s3 =	rddreg [dreg:$0x2];
	[bflag:$0x3] =	sbarrier.arrive $0xFFFF;
	s2 =	simm.s32 @!p0 $0x1C07  }
0x110: {  	[timem:s3], [sflag:s2] =	dma.local @!p0 [hbm:s0], s1  }
0x111: {  	s0 =	simm.s32 @!p0 $0x7  }
0x112: {  	_ =	swait.ge @!p0 [sflag:s0], s1  }
0x113: {  	s1 =	ssub.s32 @!p0 $0x0, s1;
	[sflag:s0] =	ssyncset.done @!p0 $0x0  }
0x114: {  	[sflag:s0] =	ssyncadd.s32 @!p0 s1  }
0x115: {  	[bflag:$0x3] =	sbarrier.arrive $0xFFFF  }
0x116: {  	_ =	shalt  }

</sc_bundles>
